<compile_context>
chip_gen: v7x
topology: tpu7x:2x2x1
jax: 0.10.2.dev20260603
libtpu: 0.0.44.dev20260713+nightly
codegen_flags: <defaults>
</compile_context>

<pallas_src>
import functools

import jax
import jax.numpy as jnp
from jax import lax
from jax.experimental import pallas as pl
from jax.experimental.pallas import tpu as pltpu
from jax.experimental.pallas import tpu_sc as plsc

_NC = 32
_K = 16
_LEVELS = 4
_LANES = 16
_WORKERS = 32
_CHUNK = 16


def _sc_encode_body(d, n, x_hbm, cols_hbm, svp_hbm, out_hbm, xbuf0, xbuf1,
                    colbuf, svpbuf, cbuf, sem0, sem1):
    wid = lax.axis_index("s") * 2 + lax.axis_index("c")
    rows_per_w = n // _WORKERS
    nchunk = rows_per_w // _CHUNK
    pltpu.sync_copy(cols_hbm, colbuf)
    pltpu.sync_copy(svp_hbm, svpbuf)
    base_w = wid * rows_per_w
    bufs = (xbuf0, xbuf1)
    sems = (sem0, sem1)

    for b in range(2):
        pltpu.async_copy(
            x_hbm.at[pl.ds(base_w + b * _CHUNK, _CHUNK), :], bufs[b], sems[b])

    def process_chunk(ci, xbuf):
        def row_body(r, carry2):
            row_splat = jnp.full((_LANES,), 0, jnp.int32) + r
            for h in range(_NC // _LANES):
                i_vec = lax.iota(jnp.int32, _LANES) + _LANES * h
                g = jnp.zeros((_LANES,), jnp.int32)
                for level in range(_LEVELS):
                    cols = colbuf[pl.ds(_NC * level + _LANES * h, _LANES)]
                    vals = plsc.load_gather(xbuf, [row_splat, cols])
                    tidx = level * (8 * _NC) + g * _NC + i_vec
                    thr = plsc.load_gather(svpbuf, [tidx])
                    g = g * 2 + (vals > thr).astype(jnp.int32)
                cbuf[r, pl.ds(_LANES * h, _LANES)] = g
            return carry2

        lax.fori_loop(0, _CHUNK, row_body, 0)
        base = base_w + ci * _CHUNK
        pltpu.sync_copy(cbuf, out_hbm.at[pl.ds(base, _CHUNK), :])

    def pair_body(pi, carry):
        for b in range(2):
            ci = pi * 2 + b
            base = base_w + ci * _CHUNK
            pltpu.make_async_copy(
                x_hbm.at[pl.ds(base, _CHUNK), :], bufs[b], sems[b]).wait()
            process_chunk(ci, bufs[b])
            nxt = ci + 2

            @pl.when(nxt < nchunk)
            def _():
                pltpu.async_copy(
                    x_hbm.at[pl.ds(base_w + nxt * _CHUNK, _CHUNK), :],
                    bufs[b], sems[b])
        return carry

    lax.fori_loop(0, nchunk // 2, pair_body, 0)


def _tc_body(codes_ref, lut_ref, bias_ref, out_ref):
    rows = codes_ref.shape[0]
    nc = _NC
    g = codes_ref[...]

    c = nc * _K
    exp_i = jax.lax.broadcasted_iota(jnp.int32, (nc, c), 0)
    exp_l = jax.lax.broadcasted_iota(jnp.int32, (nc, c), 1)
    expand = (exp_i == (exp_l // _K)).astype(jnp.bfloat16)
    e = jax.lax.dot_general(
        g.astype(jnp.bfloat16), expand, (((1,), (0,)), ((), ())),
        preferred_element_type=jnp.float32)
    lane_code = (jax.lax.broadcasted_iota(jnp.int32, (rows, c), 1)
                 % _K).astype(jnp.float32)
    oh = (e == lane_code).astype(jnp.bfloat16)

    acc = jax.lax.dot_general(
        oh, lut_ref[...], (((1,), (0,)), ((), ())),
        preferred_element_type=jnp.float32)
    out_ref[...] = acc + bias_ref[...]


@functools.partial(jax.jit, static_argnames=())
def kernel(x, split_idxs, split_vals, lookup_tables, bias):
    n, d = x.shape
    nc, k, out_f = lookup_tables.shape
    sub = d // nc

    col_tab = (split_idxs.T.astype(jnp.int32)
               + sub * jnp.arange(nc, dtype=jnp.int32)[None, :]).reshape(-1)
    svp_flat = split_vals.transpose(1, 2, 0).reshape(-1)
    lut_flat = lookup_tables.reshape(nc * k, out_f).astype(jnp.bfloat16)
    bias2 = bias.reshape(1, out_f)

    sc_encode = functools.partial(
        pl.kernel,
        mesh=plsc.VectorSubcoreMesh(core_axis_name="c", subcore_axis_name="s"),
        out_type=jax.ShapeDtypeStruct((n, nc), jnp.int32),
        scratch_types=[
            pltpu.VMEM((_CHUNK, d), jnp.float32),
            pltpu.VMEM((_CHUNK, d), jnp.float32),
            pltpu.VMEM((_LEVELS * nc,), jnp.int32),
            pltpu.VMEM((_LEVELS * 8 * nc,), jnp.float32),
            pltpu.VMEM((_CHUNK, nc), jnp.int32),
            pltpu.SemaphoreType.DMA,
            pltpu.SemaphoreType.DMA,
        ],
        compiler_params=pltpu.CompilerParams(
            needs_layout_passes=False, use_tc_tiling_on_sc=True),
    )(functools.partial(_sc_encode_body, d, n))
    codes = sc_encode(x, col_tab, svp_flat)

    rows_blk = 1024
    nb = n // rows_blk

    return pl.pallas_call(
        _tc_body,
        grid=(nb,),
        in_specs=[
            pl.BlockSpec((rows_blk, nc), lambda i: (i, 0)),
            pl.BlockSpec((nc * k, out_f), lambda i: (0, 0)),
            pl.BlockSpec((1, out_f), lambda i: (0, 0)),
        ],
        out_specs=pl.BlockSpec((rows_blk, out_f), lambda i: (i, 0)),
        out_shape=jax.ShapeDtypeStruct((n, out_f), jnp.float32),
        compiler_params=pltpu.CompilerParams(
            dimension_semantics=("arbitrary",)),
    )(codes, lut_flat, bias2)

# --- scband reference (transcript-rebuilt; emitter-appended) ---
"""Pipeline reference for scband-maddness-linear-62904091018009 (READ-ONLY COPY).

The authoritative reference and input builder live on the scoring server;
editing this copy changes nothing except your own understanding.
"""

import jax, jax.numpy as jnp
import numpy as np

NCODEBOOKS = 32
IN_FEATURES = 2048
OUT_FEATURES = 2048
K = 16
N_ROWS = 4096
SUBVEC_LEN = IN_FEATURES // NCODEBOOKS


def _encode(x_sub, split_idxs, split_vals):
    # x_sub: [n, subvec_len]; split_idxs: [4] int; split_vals: [4, k//2]
    n = x_sub.shape[0]
    group_ids = jnp.zeros((n,), dtype=jnp.int32)
    for level in range(4):
        vals = x_sub[:, split_idxs[level]]            # [n]
        thresh = split_vals[level, group_ids]          # [n]
        indicator = (vals > thresh).astype(jnp.int32)  # [n]
        group_ids = group_ids * 2 + indicator
    return group_ids


def setup_inputs(seed: int = 0) -> dict:
    key = jax.random.key(seed)
    ks = jax.random.split(key, 5)
    x = jax.random.normal(ks[0], (N_ROWS, IN_FEATURES), dtype=jnp.float32)
    # buffers (random, matching shapes of the torch module; idxs kept in-range)
    split_idxs = jax.random.randint(ks[1], (NCODEBOOKS, 4), 0, SUBVEC_LEN, dtype=jnp.int32)
    split_vals = jax.random.normal(ks[2], (NCODEBOOKS, 4, K // 2), dtype=jnp.float32)
    lookup_tables = jax.random.normal(ks[3], (NCODEBOOKS, K, OUT_FEATURES), dtype=jnp.float32)
    bias = jax.random.normal(ks[4], (OUT_FEATURES,), dtype=jnp.float32)
    return {"x": x, "split_idxs": split_idxs, "split_vals": split_vals,
            "lookup_tables": lookup_tables, "bias": bias}


def reference(x, split_idxs, split_vals, lookup_tables, bias):
    n, d = x.shape
    ncodebooks = lookup_tables.shape[0]
    k = lookup_tables.shape[1]
    out_features = lookup_tables.shape[2]
    subvec_len = d // ncodebooks
    output = jnp.zeros((n, out_features), dtype=jnp.float32)
    for i in range(ncodebooks):
        enc = _encode(x[:, subvec_len * i: subvec_len * (i + 1)],
                      split_idxs[i], split_vals[i])
        onehot = jax.nn.one_hot(enc, k, dtype=jnp.float32)  # [n, k]
        output = output + onehot @ lookup_tables[i]          # [n, out_features]
    output = output + bias
    return output

if __name__ == "__main__":
    import jax
    _d = setup_inputs()
    print(jax.jit(kernel)(*tuple(_d.values())))

</pallas_src>

<mosaic_0001>
#map = affine_map<(d0, d1) -> (0, 0)>
#map1 = affine_map<(d0, d1) -> (0)>
module attributes {stable_mosaic.version = 14 : i64} {
  func.func @_sc_encode_body(%arg0: i32, %arg1: i32, %arg2: memref<4096x2048xf32, #tpu.memory_space<hbm>>, %arg3: memref<128xi32, #tpu.memory_space<hbm>>, %arg4: memref<1024xf32, #tpu.memory_space<hbm>>, %arg5: memref<4096x32xi32, #tpu.memory_space<hbm>>, %arg6: memref<16x2048xf32, #tpu.memory_space<vmem>>, %arg7: memref<16x2048xf32, #tpu.memory_space<vmem>>, %arg8: memref<128xi32, #tpu.memory_space<vmem>>, %arg9: memref<1024xf32, #tpu.memory_space<vmem>>, %arg10: memref<16x32xi32, #tpu.memory_space<vmem>>, %arg11: memref<!tpu.dma_semaphore, #tpu.memory_space<semaphore_mem>>, %arg12: memref<!tpu.dma_semaphore, #tpu.memory_space<semaphore_mem>>) attributes {dimension_semantics = [#tpu.dimension_semantics<core_parallel>, #tpu.dimension_semantics<subcore_parallel>], iteration_bounds = array<i64: 2, 16>, scalar_prefetch = 0 : i64, scratch_operands = 7 : i64, tpu.core_type = #tpu.core_type<sc_vector_subcore>, window_params = [{transform_indices = #map}, {transform_indices = #map1}, {transform_indices = #map1}, {transform_indices = #map}]} {
    %mul3A = arith.constant 2 : i32
    %mul3A_0 = arith.muli %arg1, %mul3A : i32
    %add3A = arith.addi %mul3A_0, %arg0 : i32
    "tpu.region"() ({
      %run_scoped3A = tpu.sem_alloc : memref<!tpu.dma_semaphore, #tpu.memory_space<semaphore_mem>>
      tpu.enqueue_dma source(%arg3 : memref<128xi32, #tpu.memory_space<hbm>>) target(%arg8 : memref<128xi32, #tpu.memory_space<vmem>>) target_semaphore(%run_scoped3A : memref<!tpu.dma_semaphore, #tpu.memory_space<semaphore_mem>>)
      tpu.wait_dma2 semaphore(%run_scoped3A : memref<!tpu.dma_semaphore, #tpu.memory_space<semaphore_mem>>) src(%arg3 : memref<128xi32, #tpu.memory_space<hbm>>) dst(%arg8 : memref<128xi32, #tpu.memory_space<vmem>>)
      tpu.yield
    }) : () -> ()
    "tpu.region"() ({
      %run_scoped3A = tpu.sem_alloc : memref<!tpu.dma_semaphore, #tpu.memory_space<semaphore_mem>>
      tpu.enqueue_dma source(%arg4 : memref<1024xf32, #tpu.memory_space<hbm>>) target(%arg9 : memref<1024xf32, #tpu.memory_space<vmem>>) target_semaphore(%run_scoped3A : memref<!tpu.dma_semaphore, #tpu.memory_space<semaphore_mem>>)
      tpu.wait_dma2 semaphore(%run_scoped3A : memref<!tpu.dma_semaphore, #tpu.memory_space<semaphore_mem>>) src(%arg4 : memref<1024xf32, #tpu.memory_space<hbm>>) dst(%arg9 : memref<1024xf32, #tpu.memory_space<vmem>>)
      tpu.yield
    }) : () -> ()
    %mul3A_1 = arith.constant 128 : i32
    %mul3A_2 = arith.muli %add3A, %mul3A_1 : i32
    %add3A_3 = arith.constant 0 : i32
    %add3A_4 = arith.addi %mul3A_2, %add3A_3 : i32
    %dma_start3A = arith.constant 0 : i32
    %dma_start3A_5 = tpu.memref_slice %arg2[%add3A_4, %dma_start3A] : memref<4096x2048xf32, #tpu.memory_space<hbm>> -> memref<16x2048xf32, #tpu.memory_space<hbm>>
    %dma_start3A_6 = arith.constant 0 : i32
    %dma_start3A_7 = tpu.memref_slice %arg2[%add3A_4, %dma_start3A_6] : memref<4096x2048xf32, #tpu.memory_space<hbm>> -> memref<16x2048xf32, #tpu.memory_space<hbm>>
    tpu.enqueue_dma source(%dma_start3A_7 : memref<16x2048xf32, #tpu.memory_space<hbm>>) target(%arg6 : memref<16x2048xf32, #tpu.memory_space<vmem>>) target_semaphore(%arg11 : memref<!tpu.dma_semaphore, #tpu.memory_space<semaphore_mem>>)
    %add3A_8 = arith.constant 16 : i32
    %add3A_9 = arith.addi %mul3A_2, %add3A_8 : i32
    %dma_start3A_10 = arith.constant 0 : i32
    %dma_start3A_11 = tpu.memref_slice %arg2[%add3A_9, %dma_start3A_10] : memref<4096x2048xf32, #tpu.memory_space<hbm>> -> memref<16x2048xf32, #tpu.memory_space<hbm>>
    %dma_start3A_12 = arith.constant 0 : i32
    %dma_start3A_13 = tpu.memref_slice %arg2[%add3A_9, %dma_start3A_12] : memref<4096x2048xf32, #tpu.memory_space<hbm>> -> memref<16x2048xf32, #tpu.memory_space<hbm>>
    tpu.enqueue_dma source(%dma_start3A_13 : memref<16x2048xf32, #tpu.memory_space<hbm>>) target(%arg7 : memref<16x2048xf32, #tpu.memory_space<vmem>>) target_semaphore(%arg12 : memref<!tpu.dma_semaphore, #tpu.memory_space<semaphore_mem>>)
    %scan3A = arith.constant 0 : i32
    %scan3A_14 = arith.constant 0 : i32
    %scan3A_15 = arith.constant 4 : i32
    %scan3A_16 = arith.addi %scan3A_14, %scan3A_15 : i32
    %scan3A_17 = arith.constant 1 : i32
    scf.for %scan3A_19 = %scan3A_14 to %scan3A_16 step %scan3A_17  : i32 {
      %mul3A_20 = arith.constant 2 : i32
      %mul3A_21 = arith.muli %scan3A_19, %mul3A_20 : i32
      %add3A_22 = arith.constant 0 : i32
      %add3A_23 = arith.addi %mul3A_21, %add3A_22 : i32
      %mul3A_24 = arith.constant 16 : i32
      %mul3A_25 = arith.muli %add3A_23, %mul3A_24 : i32
      %add3A_26 = arith.addi %mul3A_2, %mul3A_25 : i32
      %dma_wait3A = arith.constant 0 : i32
      %dma_wait3A_27 = tpu.memref_slice %arg2[%add3A_26, %dma_wait3A] : memref<4096x2048xf32, #tpu.memory_space<hbm>> -> memref<16x2048xf32, #tpu.memory_space<hbm>>
      %dma_wait3A_28 = arith.constant 0 : i32
      %dma_wait3A_29 = tpu.memref_slice %arg2[%add3A_26, %dma_wait3A_28] : memref<4096x2048xf32, #tpu.memory_space<hbm>> -> memref<16x2048xf32, #tpu.memory_space<hbm>>
      tpu.wait_dma2 semaphore(%arg11 : memref<!tpu.dma_semaphore, #tpu.memory_space<semaphore_mem>>) src(%dma_wait3A_29 : memref<16x2048xf32, #tpu.memory_space<hbm>>) dst(%arg6 : memref<16x2048xf32, #tpu.memory_space<vmem>>)
      %scan3A_30 = arith.constant 0 : i32
      %scan3A_31 = arith.constant 0 : i32
      %scan3A_32 = arith.constant 16 : i32
      %scan3A_33 = arith.addi %scan3A_31, %scan3A_32 : i32
      %scan3A_34 = arith.constant 1 : i32
      scf.for %scan3A_70 = %scan3A_31 to %scan3A_33 step %scan3A_34  : i32 {
        %broadcast_in_dim3A = arith.constant 0 : i32
        %broadcast_in_dim3A_71 = vector.broadcast %broadcast_in_dim3A : i32 to vector<16xi32>
        %add3A_72 = vector.broadcast %scan3A_70 : i32 to vector<16xi32>
        %add3A_73 = arith.addi %broadcast_in_dim3A_71, %add3A_72 : vector<16xi32>
        %iota3A = tpu.iota {dimensions = array<i32: 0>} : vector<16xi32>
        %add3A_74 = arith.constant 0 : i32
        %add3A_75 = vector.broadcast %add3A_74 : i32 to vector<16xi32>
        %add3A_76 = arith.addi %iota3A, %add3A_75 : vector<16xi32>
        %broadcast_in_dim3A_77 = arith.constant 0 : i32
        %broadcast_in_dim3A_78 = vector.broadcast %broadcast_in_dim3A_77 : i32 to vector<16xi32>
        %get3A = arith.constant 0 : index
        %get3A_79 = tpu.vector_load %arg8[%get3A] {strides = array<i32>} : memref<128xi32, #tpu.memory_space<vmem>>, vector<16xi32>,
        %gather3A = tpu.vector_load_idx %arg6[%add3A_73, %get3A_79] : memref<16x2048xf32, #tpu.memory_space<vmem>>[vector<16xi32>, vector<16xi32>], vector<16xf32>,
        %mul3A_80 = arith.constant 32 : i32
        %mul3A_81 = vector.broadcast %mul3A_80 : i32 to vector<16xi32>
        %mul3A_82 = arith.muli %broadcast_in_dim3A_78, %mul3A_81 : vector<16xi32>
        %add3A_83 = arith.constant 0 : i32
        %add3A_84 = vector.broadcast %add3A_83 : i32 to vector<16xi32>
        %add3A_85 = arith.addi %add3A_84, %mul3A_82 : vector<16xi32>
        %add3A_86 = arith.addi %add3A_85, %add3A_76 : vector<16xi32>
        %gather3A_87 = tpu.vector_load_idx %arg9[%add3A_86] : memref<1024xf32, #tpu.memory_space<vmem>>[vector<16xi32>], vector<16xf32>,
        %mul3A_88 = arith.constant 2 : i32
        %mul3A_89 = vector.broadcast %mul3A_88 : i32 to vector<16xi32>
        %mul3A_90 = arith.muli %broadcast_in_dim3A_78, %mul3A_89 : vector<16xi32>
        %gt3A = arith.cmpf ogt, %gather3A, %gather3A_87 : vector<16xf32>
        %convert_element_type3A_91 = arith.extui %gt3A : vector<16xi1> to vector<16xi32>
        %add3A_92 = arith.addi %mul3A_90, %convert_element_type3A_91 : vector<16xi32>
        %get3A_93 = arith.constant 32 : index
        %get3A_94 = tpu.vector_load %arg8[%get3A_93] {strides = array<i32>} : memref<128xi32, #tpu.memory_space<vmem>>, vector<16xi32>,
        %gather3A_95 = tpu.vector_load_idx %arg6[%add3A_73, %get3A_94] : memref<16x2048xf32, #tpu.memory_space<vmem>>[vector<16xi32>, vector<16xi32>], vector<16xf32>,
        %mul3A_96 = arith.constant 32 : i32
        %mul3A_97 = vector.broadcast %mul3A_96 : i32 to vector<16xi32>
        %mul3A_98 = arith.muli %add3A_92, %mul3A_97 : vector<16xi32>
        %add3A_99 = arith.constant 256 : i32
        %add3A_100 = vector.broadcast %add3A_99 : i32 to vector<16xi32>
        %add3A_101 = arith.addi %add3A_100, %mul3A_98 : vector<16xi32>
        %add3A_102 = arith.addi %add3A_101, %add3A_76 : vector<16xi32>
        %gather3A_103 = tpu.vector_load_idx %arg9[%add3A_102] : memref<1024xf32, #tpu.memory_space<vmem>>[vector<16xi32>], vector<16xf32>,
        %mul3A_104 = arith.constant 2 : i32
        %mul3A_105 = vector.broadcast %mul3A_104 : i32 to vector<16xi32>
        %mul3A_106 = arith.muli %add3A_92, %mul3A_105 : vector<16xi32>
        %gt3A_107 = arith.cmpf ogt, %gather3A_95, %gather3A_103 : vector<16xf32>
        %convert_element_type3A_108 = arith.extui %gt3A_107 : vector<16xi1> to vector<16xi32>
        %add3A_109 = arith.addi %mul3A_106, %convert_element_type3A_108 : vector<16xi32>
        %get3A_110 = arith.constant 64 : index
        %get3A_111 = tpu.vector_load %arg8[%get3A_110] {strides = array<i32>} : memref<128xi32, #tpu.memory_space<vmem>>, vector<16xi32>,
        %gather3A_112 = tpu.vector_load_idx %arg6[%add3A_73, %get3A_111] : memref<16x2048xf32, #tpu.memory_space<vmem>>[vector<16xi32>, vector<16xi32>], vector<16xf32>,
        %mul3A_113 = arith.constant 32 : i32
        %mul3A_114 = vector.broadcast %mul3A_113 : i32 to vector<16xi32>
        %mul3A_115 = arith.muli %add3A_109, %mul3A_114 : vector<16xi32>
        %add3A_116 = arith.constant 512 : i32
        %add3A_117 = vector.broadcast %add3A_116 : i32 to vector<16xi32>
        %add3A_118 = arith.addi %add3A_117, %mul3A_115 : vector<16xi32>
        %add3A_119 = arith.addi %add3A_118, %add3A_76 : vector<16xi32>
        %gather3A_120 = tpu.vector_load_idx %arg9[%add3A_119] : memref<1024xf32, #tpu.memory_space<vmem>>[vector<16xi32>], vector<16xf32>,
        %mul3A_121 = arith.constant 2 : i32
        %mul3A_122 = vector.broadcast %mul3A_121 : i32 to vector<16xi32>
        %mul3A_123 = arith.muli %add3A_109, %mul3A_122 : vector<16xi32>
        %gt3A_124 = arith.cmpf ogt, %gather3A_112, %gather3A_120 : vector<16xf32>
        %convert_element_type3A_125 = arith.extui %gt3A_124 : vector<16xi1> to vector<16xi32>
        %add3A_126 = arith.addi %mul3A_123, %convert_element_type3A_125 : vector<16xi32>
        %get3A_127 = arith.constant 96 : index
        %get3A_128 = tpu.vector_load %arg8[%get3A_127] {strides = array<i32>} : memref<128xi32, #tpu.memory_space<vmem>>, vector<16xi32>,
        %gather3A_129 = tpu.vector_load_idx %arg6[%add3A_73, %get3A_128] : memref<16x2048xf32, #tpu.memory_space<vmem>>[vector<16xi32>, vector<16xi32>], vector<16xf32>,
        %mul3A_130 = arith.constant 32 : i32
        %mul3A_131 = vector.broadcast %mul3A_130 : i32 to vector<16xi32>
        %mul3A_132 = arith.muli %add3A_126, %mul3A_131 : vector<16xi32>
        %add3A_133 = arith.constant 768 : i32
        %add3A_134 = vector.broadcast %add3A_133 : i32 to vector<16xi32>
        %add3A_135 = arith.addi %add3A_134, %mul3A_132 : vector<16xi32>
        %add3A_136 = arith.addi %add3A_135, %add3A_76 : vector<16xi32>
        %gather3A_137 = tpu.vector_load_idx %arg9[%add3A_136] : memref<1024xf32, #tpu.memory_space<vmem>>[vector<16xi32>], vector<16xf32>,
        %mul3A_138 = arith.constant 2 : i32
        %mul3A_139 = vector.broadcast %mul3A_138 : i32 to vector<16xi32>
        %mul3A_140 = arith.muli %add3A_126, %mul3A_139 : vector<16xi32>
        %gt3A_141 = arith.cmpf ogt, %gather3A_129, %gather3A_137 : vector<16xf32>
        %convert_element_type3A_142 = arith.extui %gt3A_141 : vector<16xi1> to vector<16xi32>
        %add3A_143 = arith.addi %mul3A_140, %convert_element_type3A_142 : vector<16xi32>
        %swap3A = arith.index_cast %scan3A_70 : i32 to index
        %swap3A_144 = arith.constant 0 : index
        %swap3A_145 = tpu.vector_load %arg10[%swap3A, %swap3A_144] {strides = array<i32>} : memref<16x32xi32, #tpu.memory_space<vmem>>, vector<16xi32>,
        tpu.vector_store %arg10[%swap3A, %swap3A_144], %add3A_143 {strides = array<i32>} : memref<16x32xi32, #tpu.memory_space<vmem>>, vector<16xi32>,
        %iota3A_146 = tpu.iota {dimensions = array<i32: 0>} : vector<16xi32>
        %add3A_147 = arith.constant 16 : i32
        %add3A_148 = vector.broadcast %add3A_147 : i32 to vector<16xi32>
        %add3A_149 = arith.addi %iota3A_146, %add3A_148 : vector<16xi32>
        %broadcast_in_dim3A_150 = arith.constant 0 : i32
        %broadcast_in_dim3A_151 = vector.broadcast %broadcast_in_dim3A_150 : i32 to vector<16xi32>
        %get3A_152 = arith.constant 16 : index
        %get3A_153 = tpu.vector_load %arg8[%get3A_152] {strides = array<i32>} : memref<128xi32, #tpu.memory_space<vmem>>, vector<16xi32>,
        %gather3A_154 = tpu.vector_load_idx %arg6[%add3A_73, %get3A_153] : memref<16x2048xf32, #tpu.memory_space<vmem>>[vector<16xi32>, vector<16xi32>], vector<16xf32>,
        %mul3A_155 = arith.constant 32 : i32
        %mul3A_156 = vector.broadcast %mul3A_155 : i32 to vector<16xi32>
        %mul3A_157 = arith.muli %broadcast_in_dim3A_151, %mul3A_156 : vector<16xi32>
        %add3A_158 = arith.constant 0 : i32
        %add3A_159 = vector.broadcast %add3A_158 : i32 to vector<16xi32>
        %add3A_160 = arith.addi %add3A_159, %mul3A_157 : vector<16xi32>
        %add3A_161 = arith.addi %add3A_160, %add3A_149 : vector<16xi32>
        %gather3A_162 = tpu.vector_load_idx %arg9[%add3A_161] : memref<1024xf32, #tpu.memory_space<vmem>>[vector<16xi32>], vector<16xf32>,
        %mul3A_163 = arith.constant 2 : i32
        %mul3A_164 = vector.broadcast %mul3A_163 : i32 to vector<16xi32>
        %mul3A_165 = arith.muli %broadcast_in_dim3A_151, %mul3A_164 : vector<16xi32>
        %gt3A_166 = arith.cmpf ogt, %gather3A_154, %gather3A_162 : vector<16xf32>
        %convert_element_type3A_167 = arith.extui %gt3A_166 : vector<16xi1> to vector<16xi32>
        %add3A_168 = arith.addi %mul3A_165, %convert_element_type3A_167 : vector<16xi32>
        %get3A_169 = arith.constant 48 : index
        %get3A_170 = tpu.vector_load %arg8[%get3A_169] {strides = array<i32>} : memref<128xi32, #tpu.memory_space<vmem>>, vector<16xi32>,
        %gather3A_171 = tpu.vector_load_idx %arg6[%add3A_73, %get3A_170] : memref<16x2048xf32, #tpu.memory_space<vmem>>[vector<16xi32>, vector<16xi32>], vector<16xf32>,
        %mul3A_172 = arith.constant 32 : i32
        %mul3A_173 = vector.broadcast %mul3A_172 : i32 to vector<16xi32>
        %mul3A_174 = arith.muli %add3A_168, %mul3A_173 : vector<16xi32>
        %add3A_175 = arith.constant 256 : i32
        %add3A_176 = vector.broadcast %add3A_175 : i32 to vector<16xi32>
        %add3A_177 = arith.addi %add3A_176, %mul3A_174 : vector<16xi32>
        %add3A_178 = arith.addi %add3A_177, %add3A_149 : vector<16xi32>
        %gather3A_179 = tpu.vector_load_idx %arg9[%add3A_178] : memref<1024xf32, #tpu.memory_space<vmem>>[vector<16xi32>], vector<16xf32>,
        %mul3A_180 = arith.constant 2 : i32
        %mul3A_181 = vector.broadcast %mul3A_180 : i32 to vector<16xi32>
        %mul3A_182 = arith.muli %add3A_168, %mul3A_181 : vector<16xi32>
        %gt3A_183 = arith.cmpf ogt, %gather3A_171, %gather3A_179 : vector<16xf32>
        %convert_element_type3A_184 = arith.extui %gt3A_183 : vector<16xi1> to vector<16xi32>
        %add3A_185 = arith.addi %mul3A_182, %convert_element_type3A_184 : vector<16xi32>
        %get3A_186 = arith.constant 80 : index
        %get3A_187 = tpu.vector_load %arg8[%get3A_186] {strides = array<i32>} : memref<128xi32, #tpu.memory_space<vmem>>, vector<16xi32>,
        %gather3A_188 = tpu.vector_load_idx %arg6[%add3A_73, %get3A_187] : memref<16x2048xf32, #tpu.memory_space<vmem>>[vector<16xi32>, vector<16xi32>], vector<16xf32>,
        %mul3A_189 = arith.constant 32 : i32
        %mul3A_190 = vector.broadcast %mul3A_189 : i32 to vector<16xi32>
        %mul3A_191 = arith.muli %add3A_185, %mul3A_190 : vector<16xi32>
        %add3A_192 = arith.constant 512 : i32
        %add3A_193 = vector.broadcast %add3A_192 : i32 to vector<16xi32>
        %add3A_194 = arith.addi %add3A_193, %mul3A_191 : vector<16xi32>
        %add3A_195 = arith.addi %add3A_194, %add3A_149 : vector<16xi32>
        %gather3A_196 = tpu.vector_load_idx %arg9[%add3A_195] : memref<1024xf32, #tpu.memory_space<vmem>>[vector<16xi32>], vector<16xf32>,
        %mul3A_197 = arith.constant 2 : i32
        %mul3A_198 = vector.broadcast %mul3A_197 : i32 to vector<16xi32>
        %mul3A_199 = arith.muli %add3A_185, %mul3A_198 : vector<16xi32>
        %gt3A_200 = arith.cmpf ogt, %gather3A_188, %gather3A_196 : vector<16xf32>
        %convert_element_type3A_201 = arith.extui %gt3A_200 : vector<16xi1> to vector<16xi32>
        %add3A_202 = arith.addi %mul3A_199, %convert_element_type3A_201 : vector<16xi32>
        %get3A_203 = arith.constant 112 : index
        %get3A_204 = tpu.vector_load %arg8[%get3A_203] {strides = array<i32>} : memref<128xi32, #tpu.memory_space<vmem>>, vector<16xi32>,
        %gather3A_205 = tpu.vector_load_idx %arg6[%add3A_73, %get3A_204] : memref<16x2048xf32, #tpu.memory_space<vmem>>[vector<16xi32>, vector<16xi32>], vector<16xf32>,
        %mul3A_206 = arith.constant 32 : i32
        %mul3A_207 = vector.broadcast %mul3A_206 : i32 to vector<16xi32>
        %mul3A_208 = arith.muli %add3A_202, %mul3A_207 : vector<16xi32>
        %add3A_209 = arith.constant 768 : i32
        %add3A_210 = vector.broadcast %add3A_209 : i32 to vector<16xi32>
        %add3A_211 = arith.addi %add3A_210, %mul3A_208 : vector<16xi32>
        %add3A_212 = arith.addi %add3A_211, %add3A_149 : vector<16xi32>
        %gather3A_213 = tpu.vector_load_idx %arg9[%add3A_212] : memref<1024xf32, #tpu.memory_space<vmem>>[vector<16xi32>], vector<16xf32>,
        %mul3A_214 = arith.constant 2 : i32
        %mul3A_215 = vector.broadcast %mul3A_214 : i32 to vector<16xi32>
        %mul3A_216 = arith.muli %add3A_202, %mul3A_215 : vector<16xi32>
        %gt3A_217 = arith.cmpf ogt, %gather3A_205, %gather3A_213 : vector<16xf32>
        %convert_element_type3A_218 = arith.extui %gt3A_217 : vector<16xi1> to vector<16xi32>
        %add3A_219 = arith.addi %mul3A_216, %convert_element_type3A_218 : vector<16xi32>
        %swap3A_220 = arith.index_cast %scan3A_70 : i32 to index
        %swap3A_221 = arith.constant 16 : index
        %swap3A_222 = tpu.vector_load %arg10[%swap3A_220, %swap3A_221] {strides = array<i32>} : memref<16x32xi32, #tpu.memory_space<vmem>>, vector<16xi32>,
        tpu.vector_store %arg10[%swap3A_220, %swap3A_221], %add3A_219 {strides = array<i32>} : memref<16x32xi32, #tpu.memory_space<vmem>>, vector<16xi32>,
      }
      %scan3A_35 = arith.constant 16 : i32
      %mul3A_36 = arith.constant 16 : i32
      %mul3A_37 = arith.muli %add3A_23, %mul3A_36 : i32
      %add3A_38 = arith.addi %mul3A_2, %mul3A_37 : i32
      "tpu.region"() ({
        %run_scoped3A = tpu.sem_alloc : memref<!tpu.dma_semaphore, #tpu.memory_space<semaphore_mem>>
        %dma_start3A_70 = arith.constant 0 : i32
        %dma_start3A_71 = tpu.memref_slice %arg5[%add3A_38, %dma_start3A_70] : memref<4096x32xi32, #tpu.memory_space<hbm>> -> memref<16x32xi32, #tpu.memory_space<hbm>>
        %dma_start3A_72 = arith.constant 0 : i32
        %dma_start3A_73 = tpu.memref_slice %arg5[%add3A_38, %dma_start3A_72] : memref<4096x32xi32, #tpu.memory_space<hbm>> -> memref<16x32xi32, #tpu.memory_space<hbm>>
        tpu.enqueue_dma source(%arg10 : memref<16x32xi32, #tpu.memory_space<vmem>>) target(%dma_start3A_73 : memref<16x32xi32, #tpu.memory_space<hbm>>) target_semaphore(%run_scoped3A : memref<!tpu.dma_semaphore, #tpu.memory_space<semaphore_mem>>)
        %dma_wait3A_74 = arith.constant 0 : i32
        %dma_wait3A_75 = tpu.memref_slice %arg5[%add3A_38, %dma_wait3A_74] : memref<4096x32xi32, #tpu.memory_space<hbm>> -> memref<16x32xi32, #tpu.memory_space<hbm>>
        %dma_wait3A_76 = arith.constant 0 : i32
        %dma_wait3A_77 = tpu.memref_slice %arg5[%add3A_38, %dma_wait3A_76] : memref<4096x32xi32, #tpu.memory_space<hbm>> -> memref<16x32xi32, #tpu.memory_space<hbm>>
        tpu.wait_dma2 semaphore(%run_scoped3A : memref<!tpu.dma_semaphore, #tpu.memory_space<semaphore_mem>>) src(%arg10 : memref<16x32xi32, #tpu.memory_space<vmem>>) dst(%dma_wait3A_77 : memref<16x32xi32, #tpu.memory_space<hbm>>)
        tpu.yield
      }) : () -> ()
      %add3A_39 = arith.constant 2 : i32
      %add3A_40 = arith.addi %add3A_23, %add3A_39 : i32
      %lt3A = arith.constant 8 : i32
      %lt3A_41 = arith.cmpi slt, %add3A_40, %lt3A : i32
      %convert_element_type3A = arith.extui %lt3A_41 : i1 to i32
      %cond3A = arith.constant 0 : i32
      %cond3A_42 = arith.cmpi ne, %convert_element_type3A, %cond3A : i32
      scf.if %cond3A_42 {
        %mul3A_70 = arith.constant 16 : i32
        %mul3A_71 = arith.muli %add3A_40, %mul3A_70 : i32
        %add3A_72 = arith.addi %mul3A_2, %mul3A_71 : i32
        %dma_start3A_73 = arith.constant 0 : i32
        %dma_start3A_74 = tpu.memref_slice %arg2[%add3A_72, %dma_start3A_73] : memref<4096x2048xf32, #tpu.memory_space<hbm>> -> memref<16x2048xf32, #tpu.memory_space<hbm>>
        %dma_start3A_75 = arith.constant 0 : i32
        %dma_start3A_76 = tpu.memref_slice %arg2[%add3A_72, %dma_start3A_75] : memref<4096x2048xf32, #tpu.memory_space<hbm>> -> memref<16x2048xf32, #tpu.memory_space<hbm>>
        tpu.enqueue_dma source(%dma_start3A_76 : memref<16x2048xf32, #tpu.memory_space<hbm>>) target(%arg6 : memref<16x2048xf32, #tpu.memory_space<vmem>>) target_semaphore(%arg11 : memref<!tpu.dma_semaphore, #tpu.memory_space<semaphore_mem>>)
      } else {
      }
      %mul3A_43 = arith.constant 2 : i32
      %mul3A_44 = arith.muli %scan3A_19, %mul3A_43 : i32
      %add3A_45 = arith.constant 1 : i32
      %add3A_46 = arith.addi %mul3A_44, %add3A_45 : i32
      %mul3A_47 = arith.constant 16 : i32
      %mul3A_48 = arith.muli %add3A_46, %mul3A_47 : i32
      %add3A_49 = arith.addi %mul3A_2, %mul3A_48 : i32
      %dma_wait3A_50 = arith.constant 0 : i32
      %dma_wait3A_51 = tpu.memref_slice %arg2[%add3A_49, %dma_wait3A_50] : memref<4096x2048xf32, #tpu.memory_space<hbm>> -> memref<16x2048xf32, #tpu.memory_space<hbm>>
      %dma_wait3A_52 = arith.constant 0 : i32
      %dma_wait3A_53 = tpu.memref_slice %arg2[%add3A_49, %dma_wait3A_52] : memref<4096x2048xf32, #tpu.memory_space<hbm>> -> memref<16x2048xf32, #tpu.memory_space<hbm>>
      tpu.wait_dma2 semaphore(%arg12 : memref<!tpu.dma_semaphore, #tpu.memory_space<semaphore_mem>>) src(%dma_wait3A_53 : memref<16x2048xf32, #tpu.memory_space<hbm>>) dst(%arg7 : memref<16x2048xf32, #tpu.memory_space<vmem>>)
      %scan3A_54 = arith.constant 0 : i32
      %scan3A_55 = arith.constant 0 : i32
      %scan3A_56 = arith.constant 16 : i32
      %scan3A_57 = arith.addi %scan3A_55, %scan3A_56 : i32
      %scan3A_58 = arith.constant 1 : i32
      scf.for %scan3A_70 = %scan3A_55 to %scan3A_57 step %scan3A_58  : i32 {
        %broadcast_in_dim3A = arith.constant 0 : i32
        %broadcast_in_dim3A_71 = vector.broadcast %broadcast_in_dim3A : i32 to vector<16xi32>
        %add3A_72 = vector.broadcast %scan3A_70 : i32 to vector<16xi32>
        %add3A_73 = arith.addi %broadcast_in_dim3A_71, %add3A_72 : vector<16xi32>
        %iota3A = tpu.iota {dimensions = array<i32: 0>} : vector<16xi32>
        %add3A_74 = arith.constant 0 : i32
        %add3A_75 = vector.broadcast %add3A_74 : i32 to vector<16xi32>
        %add3A_76 = arith.addi %iota3A, %add3A_75 : vector<16xi32>
        %broadcast_in_dim3A_77 = arith.constant 0 : i32
        %broadcast_in_dim3A_78 = vector.broadcast %broadcast_in_dim3A_77 : i32 to vector<16xi32>
        %get3A = arith.constant 0 : index
        %get3A_79 = tpu.vector_load %arg8[%get3A] {strides = array<i32>} : memref<128xi32, #tpu.memory_space<vmem>>, vector<16xi32>,
        %gather3A = tpu.vector_load_idx %arg7[%add3A_73, %get3A_79] : memref<16x2048xf32, #tpu.memory_space<vmem>>[vector<16xi32>, vector<16xi32>], vector<16xf32>,
        %mul3A_80 = arith.constant 32 : i32
        %mul3A_81 = vector.broadcast %mul3A_80 : i32 to vector<16xi32>
        %mul3A_82 = arith.muli %broadcast_in_dim3A_78, %mul3A_81 : vector<16xi32>
        %add3A_83 = arith.constant 0 : i32
        %add3A_84 = vector.broadcast %add3A_83 : i32 to vector<16xi32>
        %add3A_85 = arith.addi %add3A_84, %mul3A_82 : vector<16xi32>
        %add3A_86 = arith.addi %add3A_85, %add3A_76 : vector<16xi32>
        %gather3A_87 = tpu.vector_load_idx %arg9[%add3A_86] : memref<1024xf32, #tpu.memory_space<vmem>>[vector<16xi32>], vector<16xf32>,
        %mul3A_88 = arith.constant 2 : i32
        %mul3A_89 = vector.broadcast %mul3A_88 : i32 to vector<16xi32>
        %mul3A_90 = arith.muli %broadcast_in_dim3A_78, %mul3A_89 : vector<16xi32>
        %gt3A = arith.cmpf ogt, %gather3A, %gather3A_87 : vector<16xf32>
        %convert_element_type3A_91 = arith.extui %gt3A : vector<16xi1> to vector<16xi32>
        %add3A_92 = arith.addi %mul3A_90, %convert_element_type3A_91 : vector<16xi32>
        %get3A_93 = arith.constant 32 : index
        %get3A_94 = tpu.vector_load %arg8[%get3A_93] {strides = array<i32>} : memref<128xi32, #tpu.memory_space<vmem>>, vector<16xi32>,
        %gather3A_95 = tpu.vector_load_idx %arg7[%add3A_73, %get3A_94] : memref<16x2048xf32, #tpu.memory_space<vmem>>[vector<16xi32>, vector<16xi32>], vector<16xf32>,
        %mul3A_96 = arith.constant 32 : i32
        %mul3A_97 = vector.broadcast %mul3A_96 : i32 to vector<16xi32>
        %mul3A_98 = arith.muli %add3A_92, %mul3A_97 : vector<16xi32>
        %add3A_99 = arith.constant 256 : i32
        %add3A_100 = vector.broadcast %add3A_99 : i32 to vector<16xi32>
        %add3A_101 = arith.addi %add3A_100, %mul3A_98 : vector<16xi32>
        %add3A_102 = arith.addi %add3A_101, %add3A_76 : vector<16xi32>
        %gather3A_103 = tpu.vector_load_idx %arg9[%add3A_102] : memref<1024xf32, #tpu.memory_space<vmem>>[vector<16xi32>], vector<16xf32>,
        %mul3A_104 = arith.constant 2 : i32
        %mul3A_105 = vector.broadcast %mul3A_104 : i32 to vector<16xi32>
        %mul3A_106 = arith.muli %add3A_92, %mul3A_105 : vector<16xi32>
        %gt3A_107 = arith.cmpf ogt, %gather3A_95, %gather3A_103 : vector<16xf32>
        %convert_element_type3A_108 = arith.extui %gt3A_107 : vector<16xi1> to vector<16xi32>
        %add3A_109 = arith.addi %mul3A_106, %convert_element_type3A_108 : vector<16xi32>
        %get3A_110 = arith.constant 64 : index
        %get3A_111 = tpu.vector_load %arg8[%get3A_110] {strides = array<i32>} : memref<128xi32, #tpu.memory_space<vmem>>, vector<16xi32>,
        %gather3A_112 = tpu.vector_load_idx %arg7[%add3A_73, %get3A_111] : memref<16x2048xf32, #tpu.memory_space<vmem>>[vector<16xi32>, vector<16xi32>], vector<16xf32>,
        %mul3A_113 = arith.constant 32 : i32
        %mul3A_114 = vector.broadcast %mul3A_113 : i32 to vector<16xi32>
        %mul3A_115 = arith.muli %add3A_109, %mul3A_114 : vector<16xi32>
        %add3A_116 = arith.constant 512 : i32
        %add3A_117 = vector.broadcast %add3A_116 : i32 to vector<16xi32>
        %add3A_118 = arith.addi %add3A_117, %mul3A_115 : vector<16xi32>
        %add3A_119 = arith.addi %add3A_118, %add3A_76 : vector<16xi32>
        %gather3A_120 = tpu.vector_load_idx %arg9[%add3A_119] : memref<1024xf32, #tpu.memory_space<vmem>>[vector<16xi32>], vector<16xf32>,
        %mul3A_121 = arith.constant 2 : i32
        %mul3A_122 = vector.broadcast %mul3A_121 : i32 to vector<16xi32>
        %mul3A_123 = arith.muli %add3A_109, %mul3A_122 : vector<16xi32>
        %gt3A_124 = arith.cmpf ogt, %gather3A_112, %gather3A_120 : vector<16xf32>
        %convert_element_type3A_125 = arith.extui %gt3A_124 : vector<16xi1> to vector<16xi32>
        %add3A_126 = arith.addi %mul3A_123, %convert_element_type3A_125 : vector<16xi32>
        %get3A_127 = arith.constant 96 : index
        %get3A_128 = tpu.vector_load %arg8[%get3A_127] {strides = array<i32>} : memref<128xi32, #tpu.memory_space<vmem>>, vector<16xi32>,
        %gather3A_129 = tpu.vector_load_idx %arg7[%add3A_73, %get3A_128] : memref<16x2048xf32, #tpu.memory_space<vmem>>[vector<16xi32>, vector<16xi32>], vector<16xf32>,
        %mul3A_130 = arith.constant 32 : i32
        %mul3A_131 = vector.broadcast %mul3A_130 : i32 to vector<16xi32>
        %mul3A_132 = arith.muli %add3A_126, %mul3A_131 : vector<16xi32>
        %add3A_133 = arith.constant 768 : i32
        %add3A_134 = vector.broadcast %add3A_133 : i32 to vector<16xi32>
        %add3A_135 = arith.addi %add3A_134, %mul3A_132 : vector<16xi32>
        %add3A_136 = arith.addi %add3A_135, %add3A_76 : vector<16xi32>
        %gather3A_137 = tpu.vector_load_idx %arg9[%add3A_136] : memref<1024xf32, #tpu.memory_space<vmem>>[vector<16xi32>], vector<16xf32>,
        %mul3A_138 = arith.constant 2 : i32
        %mul3A_139 = vector.broadcast %mul3A_138 : i32 to vector<16xi32>
        %mul3A_140 = arith.muli %add3A_126, %mul3A_139 : vector<16xi32>
        %gt3A_141 = arith.cmpf ogt, %gather3A_129, %gather3A_137 : vector<16xf32>
        %convert_element_type3A_142 = arith.extui %gt3A_141 : vector<16xi1> to vector<16xi32>
        %add3A_143 = arith.addi %mul3A_140, %convert_element_type3A_142 : vector<16xi32>
        %swap3A = arith.index_cast %scan3A_70 : i32 to index
        %swap3A_144 = arith.constant 0 : index
        %swap3A_145 = tpu.vector_load %arg10[%swap3A, %swap3A_144] {strides = array<i32>} : memref<16x32xi32, #tpu.memory_space<vmem>>, vector<16xi32>,
        tpu.vector_store %arg10[%swap3A, %swap3A_144], %add3A_143 {strides = array<i32>} : memref<16x32xi32, #tpu.memory_space<vmem>>, vector<16xi32>,
        %iota3A_146 = tpu.iota {dimensions = array<i32: 0>} : vector<16xi32>
        %add3A_147 = arith.constant 16 : i32
        %add3A_148 = vector.broadcast %add3A_147 : i32 to vector<16xi32>
        %add3A_149 = arith.addi %iota3A_146, %add3A_148 : vector<16xi32>
        %broadcast_in_dim3A_150 = arith.constant 0 : i32
        %broadcast_in_dim3A_151 = vector.broadcast %broadcast_in_dim3A_150 : i32 to vector<16xi32>
        %get3A_152 = arith.constant 16 : index
        %get3A_153 = tpu.vector_load %arg8[%get3A_152] {strides = array<i32>} : memref<128xi32, #tpu.memory_space<vmem>>, vector<16xi32>,
        %gather3A_154 = tpu.vector_load_idx %arg7[%add3A_73, %get3A_153] : memref<16x2048xf32, #tpu.memory_space<vmem>>[vector<16xi32>, vector<16xi32>], vector<16xf32>,
        %mul3A_155 = arith.constant 32 : i32
        %mul3A_156 = vector.broadcast %mul3A_155 : i32 to vector<16xi32>
        %mul3A_157 = arith.muli %broadcast_in_dim3A_151, %mul3A_156 : vector<16xi32>
        %add3A_158 = arith.constant 0 : i32
        %add3A_159 = vector.broadcast %add3A_158 : i32 to vector<16xi32>
        %add3A_160 = arith.addi %add3A_159, %mul3A_157 : vector<16xi32>
        %add3A_161 = arith.addi %add3A_160, %add3A_149 : vector<16xi32>
        %gather3A_162 = tpu.vector_load_idx %arg9[%add3A_161] : memref<1024xf32, #tpu.memory_space<vmem>>[vector<16xi32>], vector<16xf32>,
        %mul3A_163 = arith.constant 2 : i32
        %mul3A_164 = vector.broadcast %mul3A_163 : i32 to vector<16xi32>
        %mul3A_165 = arith.muli %broadcast_in_dim3A_151, %mul3A_164 : vector<16xi32>
        %gt3A_166 = arith.cmpf ogt, %gather3A_154, %gather3A_162 : vector<16xf32>
        %convert_element_type3A_167 = arith.extui %gt3A_166 : vector<16xi1> to vector<16xi32>
        %add3A_168 = arith.addi %mul3A_165, %convert_element_type3A_167 : vector<16xi32>
        %get3A_169 = arith.constant 48 : index
        %get3A_170 = tpu.vector_load %arg8[%get3A_169] {strides = array<i32>} : memref<128xi32, #tpu.memory_space<vmem>>, vector<16xi32>,
        %gather3A_171 = tpu.vector_load_idx %arg7[%add3A_73, %get3A_170] : memref<16x2048xf32, #tpu.memory_space<vmem>>[vector<16xi32>, vector<16xi32>], vector<16xf32>,
        %mul3A_172 = arith.constant 32 : i32
        %mul3A_173 = vector.broadcast %mul3A_172 : i32 to vector<16xi32>
        %mul3A_174 = arith.muli %add3A_168, %mul3A_173 : vector<16xi32>
        %add3A_175 = arith.constant 256 : i32
        %add3A_176 = vector.broadcast %add3A_175 : i32 to vector<16xi32>
        %add3A_177 = arith.addi %add3A_176, %mul3A_174 : vector<16xi32>
        %add3A_178 = arith.addi %add3A_177, %add3A_149 : vector<16xi32>
        %gather3A_179 = tpu.vector_load_idx %arg9[%add3A_178] : memref<1024xf32, #tpu.memory_space<vmem>>[vector<16xi32>], vector<16xf32>,
        %mul3A_180 = arith.constant 2 : i32
        %mul3A_181 = vector.broadcast %mul3A_180 : i32 to vector<16xi32>
        %mul3A_182 = arith.muli %add3A_168, %mul3A_181 : vector<16xi32>
        %gt3A_183 = arith.cmpf ogt, %gather3A_171, %gather3A_179 : vector<16xf32>
        %convert_element_type3A_184 = arith.extui %gt3A_183 : vector<16xi1> to vector<16xi32>
        %add3A_185 = arith.addi %mul3A_182, %convert_element_type3A_184 : vector<16xi32>
        %get3A_186 = arith.constant 80 : index
        %get3A_187 = tpu.vector_load %arg8[%get3A_186] {strides = array<i32>} : memref<128xi32, #tpu.memory_space<vmem>>, vector<16xi32>,
        %gather3A_188 = tpu.vector_load_idx %arg7[%add3A_73, %get3A_187] : memref<16x2048xf32, #tpu.memory_space<vmem>>[vector<16xi32>, vector<16xi32>], vector<16xf32>,
        %mul3A_189 = arith.constant 32 : i32
        %mul3A_190 = vector.broadcast %mul3A_189 : i32 to vector<16xi32>
        %mul3A_191 = arith.muli %add3A_185, %mul3A_190 : vector<16xi32>
        %add3A_192 = arith.constant 512 : i32
        %add3A_193 = vector.broadcast %add3A_192 : i32 to vector<16xi32>
        %add3A_194 = arith.addi %add3A_193, %mul3A_191 : vector<16xi32>
        %add3A_195 = arith.addi %add3A_194, %add3A_149 : vector<16xi32>
        %gather3A_196 = tpu.vector_load_idx %arg9[%add3A_195] : memref<1024xf32, #tpu.memory_space<vmem>>[vector<16xi32>], vector<16xf32>,
        %mul3A_197 = arith.constant 2 : i32
        %mul3A_198 = vector.broadcast %mul3A_197 : i32 to vector<16xi32>
        %mul3A_199 = arith.muli %add3A_185, %mul3A_198 : vector<16xi32>
        %gt3A_200 = arith.cmpf ogt, %gather3A_188, %gather3A_196 : vector<16xf32>
        %convert_element_type3A_201 = arith.extui %gt3A_200 : vector<16xi1> to vector<16xi32>
        %add3A_202 = arith.addi %mul3A_199, %convert_element_type3A_201 : vector<16xi32>
        %get3A_203 = arith.constant 112 : index
        %get3A_204 = tpu.vector_load %arg8[%get3A_203] {strides = array<i32>} : memref<128xi32, #tpu.memory_space<vmem>>, vector<16xi32>,
        %gather3A_205 = tpu.vector_load_idx %arg7[%add3A_73, %get3A_204] : memref<16x2048xf32, #tpu.memory_space<vmem>>[vector<16xi32>, vector<16xi32>], vector<16xf32>,
        %mul3A_206 = arith.constant 32 : i32
        %mul3A_207 = vector.broadcast %mul3A_206 : i32 to vector<16xi32>
        %mul3A_208 = arith.muli %add3A_202, %mul3A_207 : vector<16xi32>
        %add3A_209 = arith.constant 768 : i32
        %add3A_210 = vector.broadcast %add3A_209 : i32 to vector<16xi32>
        %add3A_211 = arith.addi %add3A_210, %mul3A_208 : vector<16xi32>
        %add3A_212 = arith.addi %add3A_211, %add3A_149 : vector<16xi32>
        %gather3A_213 = tpu.vector_load_idx %arg9[%add3A_212] : memref<1024xf32, #tpu.memory_space<vmem>>[vector<16xi32>], vector<16xf32>,
        %mul3A_214 = arith.constant 2 : i32
        %mul3A_215 = vector.broadcast %mul3A_214 : i32 to vector<16xi32>
        %mul3A_216 = arith.muli %add3A_202, %mul3A_215 : vector<16xi32>
        %gt3A_217 = arith.cmpf ogt, %gather3A_205, %gather3A_213 : vector<16xf32>
        %convert_element_type3A_218 = arith.extui %gt3A_217 : vector<16xi1> to vector<16xi32>
        %add3A_219 = arith.addi %mul3A_216, %convert_element_type3A_218 : vector<16xi32>
        %swap3A_220 = arith.index_cast %scan3A_70 : i32 to index
        %swap3A_221 = arith.constant 16 : index
        %swap3A_222 = tpu.vector_load %arg10[%swap3A_220, %swap3A_221] {strides = array<i32>} : memref<16x32xi32, #tpu.memory_space<vmem>>, vector<16xi32>,
        tpu.vector_store %arg10[%swap3A_220, %swap3A_221], %add3A_219 {strides = array<i32>} : memref<16x32xi32, #tpu.memory_space<vmem>>, vector<16xi32>,
      }
      %scan3A_59 = arith.constant 16 : i32
      %mul3A_60 = arith.constant 16 : i32
      %mul3A_61 = arith.muli %add3A_46, %mul3A_60 : i32
      %add3A_62 = arith.addi %mul3A_2, %mul3A_61 : i32
      "tpu.region"() ({
        %run_scoped3A = tpu.sem_alloc : memref<!tpu.dma_semaphore, #tpu.memory_space<semaphore_mem>>
        %dma_start3A_70 = arith.constant 0 : i32
        %dma_start3A_71 = tpu.memref_slice %arg5[%add3A_62, %dma_start3A_70] : memref<4096x32xi32, #tpu.memory_space<hbm>> -> memref<16x32xi32, #tpu.memory_space<hbm>>
        %dma_start3A_72 = arith.constant 0 : i32
        %dma_start3A_73 = tpu.memref_slice %arg5[%add3A_62, %dma_start3A_72] : memref<4096x32xi32, #tpu.memory_space<hbm>> -> memref<16x32xi32, #tpu.memory_space<hbm>>
        tpu.enqueue_dma source(%arg10 : memref<16x32xi32, #tpu.memory_space<vmem>>) target(%dma_start3A_73 : memref<16x32xi32, #tpu.memory_space<hbm>>) target_semaphore(%run_scoped3A : memref<!tpu.dma_semaphore, #tpu.memory_space<semaphore_mem>>)
        %dma_wait3A_74 = arith.constant 0 : i32
        %dma_wait3A_75 = tpu.memref_slice %arg5[%add3A_62, %dma_wait3A_74] : memref<4096x32xi32, #tpu.memory_space<hbm>> -> memref<16x32xi32, #tpu.memory_space<hbm>>
        %dma_wait3A_76 = arith.constant 0 : i32
        %dma_wait3A_77 = tpu.memref_slice %arg5[%add3A_62, %dma_wait3A_76] : memref<4096x32xi32, #tpu.memory_space<hbm>> -> memref<16x32xi32, #tpu.memory_space<hbm>>
        tpu.wait_dma2 semaphore(%run_scoped3A : memref<!tpu.dma_semaphore, #tpu.memory_space<semaphore_mem>>) src(%arg10 : memref<16x32xi32, #tpu.memory_space<vmem>>) dst(%dma_wait3A_77 : memref<16x32xi32, #tpu.memory_space<hbm>>)
        tpu.yield
      }) : () -> ()
      %add3A_63 = arith.constant 2 : i32
      %add3A_64 = arith.addi %add3A_46, %add3A_63 : i32
      %lt3A_65 = arith.constant 8 : i32
      %lt3A_66 = arith.cmpi slt, %add3A_64, %lt3A_65 : i32
      %convert_element_type3A_67 = arith.extui %lt3A_66 : i1 to i32
      %cond3A_68 = arith.constant 0 : i32
      %cond3A_69 = arith.cmpi ne, %convert_element_type3A_67, %cond3A_68 : i32
      scf.if %cond3A_69 {
        %mul3A_70 = arith.constant 16 : i32
        %mul3A_71 = arith.muli %add3A_64, %mul3A_70 : i32
        %add3A_72 = arith.addi %mul3A_2, %mul3A_71 : i32
        %dma_start3A_73 = arith.constant 0 : i32
        %dma_start3A_74 = tpu.memref_slice %arg2[%add3A_72, %dma_start3A_73] : memref<4096x2048xf32, #tpu.memory_space<hbm>> -> memref<16x2048xf32, #tpu.memory_space<hbm>>
        %dma_start3A_75 = arith.constant 0 : i32
        %dma_start3A_76 = tpu.memref_slice %arg2[%add3A_72, %dma_start3A_75] : memref<4096x2048xf32, #tpu.memory_space<hbm>> -> memref<16x2048xf32, #tpu.memory_space<hbm>>
        tpu.enqueue_dma source(%dma_start3A_76 : memref<16x2048xf32, #tpu.memory_space<hbm>>) target(%arg7 : memref<16x2048xf32, #tpu.memory_space<vmem>>) target_semaphore(%arg12 : memref<!tpu.dma_semaphore, #tpu.memory_space<semaphore_mem>>)
      } else {
      }
    }
    %scan3A_18 = arith.constant 4 : i32
    return
  }
}

module attributes {stable_mosaic.version = 14 : i64} {
  func.func @_tc_body(%arg0: i32, %arg1: memref<1024x32xi32, #tpu.memory_space<vmem>>, %arg2: memref<512x2048xbf16, #tpu.memory_space<vmem>>, %arg3: memref<1x2048xf32, #tpu.memory_space<vmem>>, %arg4: memref<1024x2048xf32, #tpu.memory_space<vmem>>) attributes {dimension_semantics = [#tpu.dimension_semantics<arbitrary>], iteration_bounds = array<i64: 4>, scalar_prefetch = 0 : i64, scratch_operands = 0 : i64, tpu.core_type = #tpu.core_type<tc>, window_params = [{transform_indices = @transform_0, window_bounds = array<i64: 1024, 32>}, {pipeline_mode = #tpu.pipeline_mode<synchronous>, transform_indices = @transform_1, window_bounds = array<i64: 512, 2048>}, {pipeline_mode = #tpu.pipeline_mode<synchronous>, transform_indices = @transform_2, window_bounds = array<i64: 1, 2048>}, {transform_indices = @transform_3, window_bounds = array<i64: 1024, 2048>}]} {
    %get3A = arith.constant 0 : index
    %get3A_0 = arith.constant 0 : index
    %get3A_1 = vector.load %arg1[%get3A, %get3A_0] : memref<1024x32xi32, #tpu.memory_space<vmem>>, vector<1024x32xi32>
    %iota3A = tpu.iota {dimensions = array<i32: 0>} : vector<32x512xi32>
    %iota3A_2 = tpu.iota {dimensions = array<i32: 1>} : vector<32x512xi32>
    %jit3A = arith.constant 16 : i32
    %div3A = vector.broadcast %jit3A : i32 to vector<32x512xi32>
    %div3A_3 = arith.divsi %iota3A_2, %div3A : vector<32x512xi32>
    %sign3A = arith.constant 0 : i32
    %sign3A_4 = vector.broadcast %sign3A : i32 to vector<32x512xi32>
    %sign3A_5 = arith.cmpi sgt, %iota3A_2, %sign3A_4 : vector<32x512xi32>
    %sign3A_6 = arith.extui %sign3A_5 : vector<32x512xi1> to vector<32x512xi32>
    %sign3A_7 = arith.constant 0 : i32
    %sign3A_8 = vector.broadcast %sign3A_7 : i32 to vector<32x512xi32>
    %sign3A_9 = arith.cmpi slt, %iota3A_2, %sign3A_8 : vector<32x512xi32>
    %sign3A_10 = arith.extui %sign3A_9 : vector<32x512xi1> to vector<32x512xi32>
    %sign3A_11 = arith.subi %sign3A_6, %sign3A_10 : vector<32x512xi32>
    %sign3A_12 = arith.constant 0 : i32
    %sign3A_13 = arith.cmpi sgt, %jit3A, %sign3A_12 : i32
    %sign3A_14 = arith.extui %sign3A_13 : i1 to i32
    %sign3A_15 = arith.constant 0 : i32
    %sign3A_16 = arith.cmpi slt, %jit3A, %sign3A_15 : i32
    %sign3A_17 = arith.extui %sign3A_16 : i1 to i32
    %sign3A_18 = arith.subi %sign3A_14, %sign3A_17 : i32
    %ne3A = vector.broadcast %sign3A_18 : i32 to vector<32x512xi32>
    %ne3A_19 = arith.cmpi ne, %sign3A_11, %ne3A : vector<32x512xi32>
    %rem3A = vector.broadcast %jit3A : i32 to vector<32x512xi32>
    %rem3A_20 = arith.remsi %iota3A_2, %rem3A : vector<32x512xi32>
    %ne3A_21 = arith.constant 0 : i32
    %ne3A_22 = vector.broadcast %ne3A_21 : i32 to vector<32x512xi32>
    %ne3A_23 = arith.cmpi ne, %rem3A_20, %ne3A_22 : vector<32x512xi32>
    %and3A = arith.andi %ne3A_19, %ne3A_23 : vector<32x512xi1>
    %sub3A = arith.constant 1 : i32
    %sub3A_24 = vector.broadcast %sub3A : i32 to vector<32x512xi32>
    %sub3A_25 = arith.subi %div3A_3, %sub3A_24 : vector<32x512xi32>
    %select_n3A = arith.select %and3A, %sub3A_25, %div3A_3 : vector<32x512xi1>, vector<32x512xi32>
    %eq3A = arith.cmpi eq, %iota3A, %select_n3A : vector<32x512xi32>
    %convert_element_type3A = arith.extui %eq3A : vector<32x512xi1> to vector<32x512xi32>
    %convert_element_type3A_26 = arith.sitofp %convert_element_type3A : vector<32x512xi32> to vector<32x512xf32>
    %convert_element_type3A_27 = arith.truncf %convert_element_type3A_26 : vector<32x512xf32> to vector<32x512xbf16>
    %convert_element_type3A_28 = arith.sitofp %get3A_1 : vector<1024x32xi32> to vector<1024x32xbf16>
    %dot_general3A = arith.constant dense<0.000000e+00> : vector<1024x512xf32>
    %dot_general3A_29 = tpu.matmul %convert_element_type3A_28, %convert_element_type3A_27, %dot_general3A {dimension_numbers = #tpu.dot_dimension_numbers<[1], [0], [0], [1], [0, 0, 1, 1], [], []>, transpose_lhs_hint = false} : vector<1024x32xbf16>, vector<32x512xbf16>, vector<1024x512xf32> -> vector<1024x512xf32>
    %iota3A_30 = tpu.iota {dimensions = array<i32: 1>} : vector<1024x512xi32>
    %jit3A_31 = arith.constant 16 : i32
    %eq3A_32 = arith.constant 0 : i32
    %eq3A_33 = arith.cmpi eq, %jit3A_31, %eq3A_32 : i32
    %jit3A_34 = arith.constant 1 : i32
    %select_n3A_35 = arith.select %eq3A_33, %jit3A_34, %jit3A_31 : i32
    %rem3A_36 = vector.broadcast %select_n3A_35 : i32 to vector<1024x512xi32>
    %rem3A_37 = arith.remsi %iota3A_30, %rem3A_36 : vector<1024x512xi32>
    %ne3A_38 = arith.constant 0 : i32
    %ne3A_39 = vector.broadcast %ne3A_38 : i32 to vector<1024x512xi32>
    %ne3A_40 = arith.cmpi ne, %rem3A_37, %ne3A_39 : vector<1024x512xi32>
    %lt3A = arith.constant 0 : i32
    %lt3A_41 = vector.broadcast %lt3A : i32 to vector<1024x512xi32>
    %lt3A_42 = arith.cmpi slt, %rem3A_37, %lt3A_41 : vector<1024x512xi32>
    %lt3A_43 = arith.constant 0 : i32
    %lt3A_44 = arith.cmpi slt, %select_n3A_35, %lt3A_43 : i32
    %ne3A_45 = vector.broadcast %lt3A_44 : i1 to vector<1024x512xi1>
    %ne3A_46 = vector.broadcast %ne3A_45 : vector<1024x512xi1> to vector<1024x512xi1>
    %ne3A_47 = arith.xori %lt3A_42, %ne3A_46 : vector<1024x512xi1>
    %and3A_48 = arith.andi %ne3A_47, %ne3A_40 : vector<1024x512xi1>
    %add3A = vector.broadcast %select_n3A_35 : i32 to vector<1024x512xi32>
    %add3A_49 = arith.addi %rem3A_37, %add3A : vector<1024x512xi32>
    %select_n3A_50 = arith.select %and3A_48, %add3A_49, %rem3A_37 : vector<1024x512xi1>, vector<1024x512xi32>
    %convert_element_type3A_51 = arith.sitofp %select_n3A_50 : vector<1024x512xi32> to vector<1024x512xf32>
    %eq3A_52 = arith.cmpf oeq, %dot_general3A_29, %convert_element_type3A_51 : vector<1024x512xf32>
    %convert_element_type3A_53 = arith.extui %eq3A_52 : vector<1024x512xi1> to vector<1024x512xi32>
    %convert_element_type3A_54 = arith.sitofp %convert_element_type3A_53 : vector<1024x512xi32> to vector<1024x512xf32>
    %convert_element_type3A_55 = arith.truncf %convert_element_type3A_54 : vector<1024x512xf32> to vector<1024x512xbf16>
    %get3A_56 = arith.constant 0 : index
    %get3A_57 = arith.constant 0 : index
    %get3A_58 = vector.load %arg2[%get3A_56, %get3A_57] : memref<512x2048xbf16, #tpu.memory_space<vmem>>, vector<512x2048xbf16>
    %dot_general3A_59 = arith.constant dense<0.000000e+00> : vector<1024x2048xf32>
    %dot_general3A_60 = tpu.matmul %convert_element_type3A_55, %get3A_58, %dot_general3A_59 {dimension_numbers = #tpu.dot_dimension_numbers<[1], [0], [0], [1], [0, 0, 1, 1], [], []>, transpose_lhs_hint = false} : vector<1024x512xbf16>, vector<512x2048xbf16>, vector<1024x2048xf32> -> vector<1024x2048xf32>
    %get3A_61 = arith.constant 0 : index
    %get3A_62 = arith.constant 0 : index
    %get3A_63 = vector.load %arg3[%get3A_61, %get3A_62] : memref<1x2048xf32, #tpu.memory_space<vmem>>, vector<1x2048xf32>
    %add3A_64 = vector.broadcast %get3A_63 : vector<1x2048xf32> to vector<1024x2048xf32>
    %add3A_65 = arith.addf %dot_general3A_60, %add3A_64 : vector<1024x2048xf32>
    %swap3A = arith.constant 0 : index
    %swap3A_66 = arith.constant 0 : index
    %swap3A_67 = vector.load %arg4[%swap3A, %swap3A_66] : memref<1024x2048xf32, #tpu.memory_space<vmem>>, vector<1024x2048xf32>
    tpu.vector_store %arg4[%swap3A, %swap3A_66], %add3A_65 {strides = array<i32>} : memref<1024x2048xf32, #tpu.memory_space<vmem>>, vector<1024x2048xf32>,
    return
  }
  func.func @transform_0(%arg0: i32) -> (i32, i32) {
    %c0_i32 = arith.constant 0 : i32
    %c0_i32_0 = arith.constant 0 : i32
    return %arg0, %c0_i32 : i32, i32
  }
  func.func @transform_1(%arg0: i32) -> (i32, i32) {
    %c0_i32 = arith.constant 0 : i32
    %c0_i32_0 = arith.constant 0 : i32
    %c0_i32_1 = arith.constant 0 : i32
    return %c0_i32, %c0_i32_0 : i32, i32
  }
  func.func @transform_2(%arg0: i32) -> (i32, i32) {
    %c0_i32 = arith.constant 0 : i32
    %c0_i32_0 = arith.constant 0 : i32
    %c0_i32_1 = arith.constant 0 : i32
    return %c0_i32, %c0_i32_0 : i32, i32
  }
  func.func @transform_3(%arg0: i32) -> (i32, i32) {
    %c0_i32 = arith.constant 0 : i32
    %c0_i32_0 = arith.constant 0 : i32
    return %arg0, %c0_i32 : i32, i32
  }
}

</mosaic_0001>

<sc_bundles>
// kernel: kernel.4.cloned.1.call-start
scs
__scs_entry_jumppad:
0x0: {  	(pc) =	sbr.rel $0x88, $3  }
0x1: {  	(tag) =	ssettag $0x0;
	lr =	simm.s32 $0x1  }
0x2: {  	[smem:$0x3F9C] =	sst lr;
	_ =	strace $0xD0000000  }
0x3: {  	_ = 	snop  }
0x4: {  	_ = 	snop  }
0x5: {  	_ = 	snop  }
0x6: {  	_ = 	snop  }
0x7: {  	_ = 	snop  }
__scs_overlays_trampoline_lowered:
0x8: {  	[smem:$0x3FAB] =	sst s0  }
0x9: {  	[smem:$0x3FAC] =	sst s1  }
0xa: {  	[smem:$0x3FAD] =	sst s2  }
0xb: {  	[smem:$0x3FAE] =	sst s3  }
0xc: {  	[smem:$0x3FAF] =	sst s4  }
0xd: {  	[smem:$0x3FB0] =	sst s5  }
0xe: {  	[smem:$0x3FB1] =	sst s6  }
0xf: {  	[smem:$0x3FB2] =	sst s7  }
0x10: {  	[smem:$0x3FB3] =	sst s8  }
0x11: {  	[smem:$0x3FB4] =	sst s9;
	s0 =	simm.s32 @!p0 $0x0  }
0x12: {  	s1 =	sld [smem:$0x3F9A];
	s0 =	simm.s32 @p0 $0x1  }
0x13: {  	[smem:$0x3FB5] =	sst s0;
	s0 =	simm.s32 @!p1 $0x0  }
0x14: {  	s2 =	sld [smem:$0x3F99];
	s0 =	simm.s32 @p1 $0x1  }
0x15: {  	[smem:$0x3FB6] =	sst s0;
	s0 =	simm.s32 @!p2 $0x0  }
0x16: {  	s3 =	sld [smem:$0x3FDB];
	s0 =	simm.s32 @p2 $0x1  }
0x17: {  	s4 =	simm.s32 $0x1BF5;
	[smem:$0x3FB8] =	sst s0  }
0x18: {  	s0 =	sld [smem:$0x3F9B];
	_ =	swait.ge [sflag:s4], $0x0  }
0x19: {  	s7 =	sld [smem:$0x3F9C]  }
0x1a: {  	s8 =	sadd.s32 $0xFFFFE003, lr  }
0x1b: {  	s9 =	sadd.s32 $0xFFFFFEF7, lr;
	s5 =	simm.s32 $0xFFFFFFFF;
	p2 =	slt.u32 s8, $0xFFFFF086  }
0x1c: {  	p1 =	slt.u32 s9, $0xF7A;
	s5 =	simm.s32 @!p2 $0x0  }
0x1d: {  	s5 =	simm.s32 @p1 $0x1;
	p0 =	seq.s32 s7, s2  }
0x1e: {  	s7 =	smul.u32 @!p0 $0xF7A, s2;
	p2 =	seq.s32 @!p0 s5, $0x0  }
0x1f: {  	s9 =	smul.u32 $0xF7A, s1;
	s8 =	simm.s32 @!p0 $0x1BF5;
	p2 =	por !p2, p0  }
0x20: {  	[sflag:s8] =	ssyncset.s32 @!p0 $0xFFFFF086;
	s6 =	sadd.s32 @!p0 s3, s7;
	s7 =	simm.s32 @!p0 $0x108  }
0x21: {  	s3 =	sadd.s32 s3, s9;
	s6 =	sadd.s32 @!p0 $0x88, s6;
	s7 =	simm.s32 @p2 $0x1082  }
0x22: {  	[simem:s7], [sflag:s8] =	dma.local @!p0 [hbm:s6], $0xF7A  }
0x23: {  	s9 =	sor.u32 $0xD0000000, s2;
	s6 =	simm.s32 $0x108;
	_ =	swait.ge @!p0 [sflag:s8], $0x0  }
0x24: {  	s3 =	sadd.s32 $0x88, s3;
	s6 =	simm.s32 @!p1 $0x1082;
	[sflag:s4] =	ssyncset.s32 $0xFFFFF086  }
0x25: {  	[simem:s6], [sflag:s4] =	dma.local [hbm:s3], $0xF7A  }
0x26: {  	[smem:$0x3F9C] =	sst s1;
	(tag) =	ssettag s2;
	_ =	strace s9  }
0x27: {  	s1 =	sld [smem:$0x3FAC]  }
0x28: {  	s2 =	sld [smem:$0x3FAD]  }
0x29: {  	s4 =	sld [smem:$0x3FAF]  }
0x2a: {  	p0 =	seq.s32 s5, $0x0;
	s5 =	sld [smem:$0x3FB0]  }
0x2b: {  	s6 =	sld [smem:$0x3FB1]  }
0x2c: {  	s7 =	sld [smem:$0x3FB2]  }
0x2d: {  	s3 =	simm.s32 $0x108;
	s8 =	sld [smem:$0x3FB3]  }
0x2e: {  	s3 =	simm.s32 @!p0 $0x1082;
	s9 =	sld [smem:$0x3FB4]  }
0x2f: {  	lr =	sadd.s32 s0, s3;
	s0 =	sld [smem:$0x3FAB]  }
0x30: {  	s3 =	sld [smem:$0x3FAE]  }
0x31: {  	[smem:$0x3FB7] =	sst s10  }
0x32: {  	s10 =	sld [smem:$0x3FB5];
	_ =	sdelay $0x3  }
0x33: {  	p0 =	seq.s32 s10, $0x1;
	s10 =	sld [smem:$0x3FB7];
	_ =	sdelay $0x3  }
0x34: {  	[smem:$0x3FB7] =	sst s10  }
0x35: {  	s10 =	sld [smem:$0x3FB6];
	_ =	sdelay $0x3  }
0x36: {  	p1 =	seq.s32 s10, $0x1;
	s10 =	sld [smem:$0x3FB7];
	_ =	sdelay $0x3  }
0x37: {  	[smem:$0x3FB7] =	sst s10  }
0x38: {  	s10 =	sld [smem:$0x3FB8]  }
0x39: {  	_ = 	snop;
	(pc) =	sbr.ind lr, $3  }
0x3a: {  	_ = 	snop  }
0x3b: {  	_ = 	snop  }
0x3c: {  	p2 =	seq.s32 s10, $0x1;
	s10 =	sld [smem:$0x3FB7]  }
0x3d: {  	_ =	shalt  }
0x3e: {  	_ =	shalt  }
0x3f: {  	_ =	shalt  }
0x40: {  	_ =	shalt  }
0x41: {  	_ =	shalt  }
0x42: {  	_ =	shalt  }
0x43: {  	_ =	shalt  }
0x44: {  	_ =	shalt  }
0x45: {  	_ =	shalt  }
0x46: {  	_ =	shalt  }
0x47: {  	_ =	shalt  }
0x48: {  	_ =	shalt  }
0x49: {  	_ =	shalt  }
0x4a: {  	_ =	shalt  }
0x4b: {  	_ =	shalt  }
0x4c: {  	_ =	shalt  }
0x4d: {  	_ =	shalt  }
0x4e: {  	_ =	shalt  }
0x4f: {  	_ =	shalt  }
0x50: {  	_ =	shalt  }
0x51: {  	_ =	shalt  }
0x52: {  	_ =	shalt  }
0x53: {  	_ =	shalt  }
0x54: {  	_ =	shalt  }
0x55: {  	_ =	shalt  }
0x56: {  	_ =	shalt  }
0x57: {  	_ =	shalt  }
0x58: {  	_ =	shalt  }
0x59: {  	_ =	shalt  }
0x5a: {  	_ =	shalt  }
0x5b: {  	_ =	shalt  }
0x5c: {  	_ =	shalt  }
0x5d: {  	_ =	shalt  }
0x5e: {  	_ =	shalt  }
0x5f: {  	_ =	shalt  }
0x60: {  	_ =	shalt  }
0x61: {  	_ =	shalt  }
0x62: {  	_ =	shalt  }
0x63: {  	_ =	shalt  }
0x64: {  	_ =	shalt  }
0x65: {  	_ =	shalt  }
0x66: {  	_ =	shalt  }
0x67: {  	_ =	shalt  }
0x68: {  	_ =	shalt  }
0x69: {  	_ =	shalt  }
0x6a: {  	_ =	shalt  }
0x6b: {  	_ =	shalt  }
0x6c: {  	_ =	shalt  }
0x6d: {  	_ =	shalt  }
0x6e: {  	_ =	shalt  }
0x6f: {  	_ =	shalt  }
0x70: {  	_ =	shalt  }
0x71: {  	_ =	shalt  }
0x72: {  	_ =	shalt  }
0x73: {  	_ =	shalt  }
0x74: {  	_ =	shalt  }
0x75: {  	_ =	shalt  }
0x76: {  	_ =	shalt  }
0x77: {  	_ =	shalt  }
0x78: {  	_ =	shalt  }
0x79: {  	_ =	shalt  }
0x7a: {  	_ =	shalt  }
0x7b: {  	_ =	shalt  }
0x7c: {  	_ =	shalt  }
0x7d: {  	_ =	shalt  }
0x7e: {  	_ =	shalt  }
0x7f: {  	_ =	shalt  }
0x80: {  	_ =	shalt  }
0x81: {  	_ =	shalt  }
0x82: {  	_ =	shalt  }
0x83: {  	_ =	shalt  }
0x84: {  	_ =	shalt  }
0x85: {  	_ =	shalt  }
0x86: {  	_ =	shalt  }
0x87: {  	_ =	shalt  }
.Lfunc_end0:
.L_simem_size_0:
called_computation_lowered:
.L_overlay_start_0:
0x88: {  	s2 =	sld [smem:$0x3FD9]  }
0x89: {  	s3 =	sld [smem:$0x3FFE];
	_ =	sdelay $0x1  }
0x8a: {  	s1 =	srdreg.scid  }
0x8b: {  	s0 =	sand.u32 $0x1, s1  }
0x8c: {  	s17 =	sshll.u32 s0, $0xA;
	s2 =	sadd.s32 s3, s2  }
0x8d: {  	s2 =	sadd.s32 s2, s17  }
0x8e: {  	[smem:$0x3FC3] =	sst s2  }
0x8f: {  	_ = 	snop  }
0x90: {  	s2 =	sld [smem:$0x3FC9]  }
0x91: {  	s18 =	sld [smem:$0x3FD0];
	(tm) =	ssettm $0x1  }
0x92: {  	s4 =	sld [smem:$0x3FFB];
	_ =	sdelay $0x3  }
0x93: {  	_ =	strace s4  }
0x94: {  	s4 =	sld [smem:$0x3FFC];
	_ =	sdelay $0x3  }
0x95: {  	_ =	strace s4  }
0x96: {  	s4 =	sld [smem:$0x3FFD];
	_ =	sdelay $0x3  }
0x97: {  	_ =	strace s4  }
0x98: {  	_ =	strace $0x8FFFFFFF  }
0x99: {  	s19 =	sld [smem:$0x3FDB];
	_ =	sdelay $0x1  }
0x9a: {  	s5 =	simm.s32 $_scs_section_size  }
0x9b: {  	s6 =	simm.s32 $_size__tile_overlayer_lowered;
	s7 =	simm.s32 $_tile_overlayer_lowered  }
0x9c: {  	s22 =	simm.s32 $0x1BFF;
	s21 =	sshll.u32 s7, $0x1;
	s4 =	sadd.s32 s5, s19  }
0x9d: {  	s8 =	simm.s32 $0x0;
	s20 =	sshll.u32 s6, $0x1;
	s6 =	sadd.s32 s21, s4  }
0x9e: {  	[timem:s8], [sflag:s22] =	dma.local [hbm:s6], s20  }
0x9f: {  	_ =	swait.ge [sflag:s22], s20  }
0xa0: {  	s5 =	ssub.s32 $0x0, s20;
	[sflag:s22] =	ssyncset.done $0x0  }
0xa1: {  	[sflag:s22] =	ssyncadd.s32 s5;
	_ =	sdelay $0x1  }
0xa2: {  	s23 =	simm.s32 $0x1B8B  }
0xa3: {  	_ =	swait.ge [sflag:s23], $0x1  }
0xa4: {  	[sflag:s23] =	ssyncset.done $0x0  }
0xa5: {  	s25 =	simm.s32 $0x1B8E;
	s24 =	sld [smem:$0x3FFE];
	[sflag:s23] =	ssyncadd.s32 $0xFFFFFFFF  }
0xa6: {  	s26 =	simm.s32 $execute0_lowered;
	[smem:$0x3FD2] =	sst s25  }
0xa7: {  	s6 =	sshll.u32 s26, $0x1;
	_ =	strace $0x80000046;
	[dreg:$0x1] =	wrdreg $0xFFFFFFFF  }
0xa8: {  	s28 =	simm.s32 $_size_execute0_lowered;
	s4 =	sadd.s32 s4, s6;
	[dreg:$0x0] =	wrdreg $0x0  }
0xa9: {  	s6 =	sshll.u32 s28, $0x1;
	[dreg:$0x2] =	wrdreg s4  }
0xaa: {  	[dreg:$0x3] =	wrdreg s6  }
0xab: {  	[dreg:$0x4] =	wrdreg $0xC0  }
0xac: {  	_ =	task [dreg:s8], $0x5FFFF  }
0xad: {  	[dreg:$0x1] =	wrdreg $0xFFFFFFFF  }
0xae: {  	[dreg:$0x0] =	wrdreg $0x60  }
0xaf: {  	[dreg:$0x2] =	wrdreg s2  }
0xb0: {  	[dreg:$0x3] =	wrdreg s24  }
0xb1: {  	[dreg:$0x4] =	wrdreg s18  }
0xb2: {  	[dreg:$0x5] =	wrdreg $0x9  }
0xb3: {  	_ =	task.clear_ibuf [dreg:s8], $0x6FFFF;
	_ =	strace $0x90000046  }
0xb4: {  	s29 =	simm.s32 $0x9;
	_ =	strace $0x80000048  }
0xb5: {  	_ =	swait.ge [sflag:s29], $0x1  }
0xb6: {  	[sflag:s29] =	ssyncadd.s32 $0xFFFFFFFF  }
0xb7: {  	_ =	strace $0x90000048  }
0xb8: {  	_ =	sfence  }
0xb9: {  	s30 =	sld [smem:$0x0];
	_ =	sdelay $0x2  }
0xba: {  	s31 =	sshll.u32 s1, $0xD;
	s1 =	sshrl.u32 s1, $0x2  }
0xbb: {  	s3 =	sand.u32 $0x4000, s31;
	s1 =	sadd.s32 s1, s30  }
0xbc: {  	s0 =	sor.u32 s3, s0;
	s1 =	sshll.u32 s1, $0x11  }
0xbd: {  	s0 =	sor.u32 s1, s0  }
0xbe: {  	s0 =	sadd.s32 $0x8F2B, s0  }
0xbf: {  	[sflag:s0] =	ssyncadd.remote.s32 $0x1  }
0xc0: {  	_ =	sfence.sel $0xFFFF  }
0xc1: {  	[dreg:$0x0] =	wrdreg $0xFFFFFFFF;
	(pc) =	sbr.abs _section_cstart, $3  }
0xc2: {  	[dreg:$0x1] =	wrdreg $0xFFFFFFFF  }
0xc3: {  	_ =	task.clear_ibuf [dreg:s8], $0x2FFFF;
	_ =	strace $0x9FFFFFFF  }
0xc4: {  	(tm) =	ssettm $0x7FFFFFFF  }
0xc5: {  	_ =	shalt  }
tec
execute0_lowered:
.L_overlay_start_1:
0x0: {  	(tag) =	ssettag $0x1  }
0x1: {  	s5 =	rddreg [dreg:$0x0]  }
0x2: {  	s4 =	rddreg [dreg:$0x1]  }
0x3: {  	s7 =	rddreg [dreg:$0x2]  }
0x4: {  	s0 =	rddreg [dreg:$0x3];
	s3 =	srdreg.scid;
	s2 =	simm.s32 $0x0  }
0x5: {  	s1 =	stileid.u32;
	s12 =	simm.s32 $0x10000;
	s13 =	simm.s32 $0x3  }
0x6: {  	s14 =	simm.s32 $0x10080;
	s15 =	simm.s32 $0x8000;
	s16 =	simm.s32 $0x1  }
0x7: {  	s17 =	simm.s32 $0x10480;
	s18 =	simm.s32 $0x2;
	s19 =	simm.s32 $0x0  }
0x8: {  	s6 =	sand.u32 $0x1, s3;
	[smem:$0x7FF] =	sst s2;
	s8 =	sshll.u32 s1, $0x8  }
0x9: {  	s3 =	sadd.s32 $0xA00, s4;
	s4 =	sadd.s32 $0xC00, s4;
	s9 =	sshll.u32 s6, $0x7  }
.Ltmp0:
0xa: {  	s6 =	ssub.s32 $0x2, s6;
	s8 =	sor.u32 s9, s8;
	(pc) =	sbr.rel .LBB2_1-.Ltmp0, $4  }
0xb: {  	v0 =	vlaneseq.u32;
	v3 =	vimm.s32 $0x0;
	_ =	strace $0x80000047;
	s10 =	sshrl.u32 s6, $0x1;
	s9 =	sshll.u32 s8, $0x8  }
0xc: {  	v1 =	vor.u32 $0x100, v0;
	v2 =	vor.u32 $0x120, v0;
	v4 =	vor.u32 $0x200, v0;
	s8 =	sshll.u32 s8, $0x4;
	s10 =	ssub.s32 s6, s10;
	s5 =	sadd.s32 s5, s9  }
0xd: {  	v5 =	vor.u32 $0x300, v0;
	v6 =	vor.u32 $0x10, v0;
	v7 =	vor.u32 $0x110, v0;
	s7 =	sadd.s32 s7, s8;
	s10 =	smax.u32 s10, $0x1;
	s6 =	sadd.s32 $0x1000, s5  }
0xe: {  	v8 =	vor.u32 $0x130, v0;
	v9 =	vor.u32 $0x210, v0;
	v10 =	vor.u32 $0x310, v0;
	s8 =	sadd.s32 $0x2000, s5;
	s9 =	sadd.s32 $0x3000, s5;
	s11 =	sadd.s32 $0x100, s7  }
.LBB2_8:
0xf: {  	s19 =	sadd.s32 $0x1, s19  }
0x10: {  	p0 =	sne.s32 s19, s10  }
.Ltmp1:
0x11: {  	_ = 	snop;
	(pc) =	sbr.rel @!p0 .LBB2_9-.Ltmp1, $1  }
0x12: {  	_ =	sdelay $0x3  }
.LBB2_1:
0x13: {  	[tilespmem:s12], [sflag:$0x3] =	stream.linear.gather [hbm4b:s3+s2], $0x80, $0x38;
	[tilespmem:$0x10C80] =	vst v63  }
0x14: {  	_ =	swait.ge [sflag:s13], $0x80  }
0x15: {  	[sflag:s13] =	ssyncset.done $0x0  }
0x16: {  	[sflag:s13] =	ssyncadd.s32 $0xFFFFFF80  }
0x17: {  	[tilespmem:s14], [sflag:$0x3] =	stream.linear.gather [hbm4b:s4+s2], $0x400, $0x38;
	[tilespmem:$0x10C80] =	vst v63  }
0x18: {  	_ =	swait.ge [sflag:s13], $0x400  }
0x19: {  	[sflag:s13] =	ssyncset.done $0x0  }
0x1a: {  	[sflag:s13] =	ssyncadd.s32 $0xFFFFFC00  }
0x1b: {  	[tilespmem:s2], [sflag:$0x1] =	stream.linear.gather [hbm4b:s5+s2], $0x8000, $0x38;
	[tilespmem:$0x10C80] =	vst v63  }
0x1c: {  	s20 =	simm.s32 $0x0  }
0x1d: {  	[tilespmem:s15], [sflag:$0x2] =	stream.linear.gather [hbm4b:s6+s2], $0x8000, $0x38;
	[tilespmem:$0x10C80] =	vst v63  }
.LBB2_2:
0x1e: {  	_ =	swait.ge [sflag:s16], $0x8000  }
0x1f: {  	[sflag:s16] =	ssyncset.done $0x0  }
0x20: {  	s21 =	simm.s32 $0x0;
	s22 =	simm.s32 $0x10490;
	[sflag:s16] =	ssyncadd.s32 $0xFFFF8000  }
.LBB2_3:
0x21: {  	v11 =	vld [tilespmem:$0x10000];
	_ =	sdelay $0x3  }
0x22: {  	v12 =	vmov s21  }
0x23: {  	v13 =	vshll.u32 v12, $0xB;
	v14 =	vshll.u32 v11, $0x3  }
0x24: {  	v13 =	vand.u32 $0x4000, v13;
	v14 =	vand.u32 $0xFFFFFC00, v14  }
0x25: {  	v12 =	vshll.u32 v12, $0x7;
	v11 =	vand.u32 $0x7F, v11;
	v14 =	vadd.s32 v13, v14  }
0x26: {  	v12 =	vand.u32 $0x380, v12;
	v11 =	vor.u32 v11, v14  }
0x27: {  	v11 =	vor.u32 v12, v11  }
0x28: {  	v40 =	vld [tilespmem:$0x10020];
	_ =	sdelay $0x2  }
0x29: {  	v15 =	vld.idx.msk [tilespmem:v0+s14+$0x0], $0xffff  }
0x2a: {  	v11 =	vld.idx.msk [tilespmem:v11+s2+$0x0], $0xffff  }
0x2b: {  	v16 =	vshll.u32 v40, $0x3  }
0x2c: {  	v16 =	vand.u32 $0xFFFFFC00, v16  }
0x2d: {  	v16 =	vadd.s32 v13, v16;
	v14 =	vand.u32 $0x7F, v40  }
0x2e: {  	v14 =	vor.u32 v14, v16  }
0x2f: {  	vm0 =	vgt.f32 v11, v15;
	v11 =	vor.u32 v12, v14  }
0x30: {  	v41 =	vsel vm0, v2, v1;
	_ =	sdelay $0x2  }
0x31: {  	v42 =	vld [tilespmem:$0x10040]  }
0x32: {  	v11 =	vld.idx.msk [tilespmem:v11+s2+$0x0], $0xffff  }
0x33: {  	v14 =	vld.idx.msk [tilespmem:v41+s14+$0x0], $0xffff;
	_ =	sdelay $0x2  }
0x34: {  	v43 =	vshll.u32 v42, $0x3  }
0x35: {  	v16 =	vand.u32 $0xFFFFFC00, v43  }
0x36: {  	v44 =	vadd.s32 v13, v16;
	vm1 =	vgt.f32 v11, v14  }
0x37: {  	v45 =	vsel vm0, $0x2, v3;
	v11 =	vand.u32 $0x7F, v42;
	v46 =	vsel vm1, $0x1, v3  }
0x38: {  	v11 =	vor.u32 v11, v44;
	v47 =	vor.u32 v46, v45  }
0x39: {  	v11 =	vor.u32 v12, v11;
	v15 =	vshll.u32 v47, $0x5  }
0x3a: {  	v15 =	vor.u32 v4, v15;
	_ =	sdelay $0x2  }
0x3b: {  	v48 =	vld [tilespmem:$0x10060]  }
0x3c: {  	v11 =	vld.idx.msk [tilespmem:v11+s2+$0x0], $0xffff  }
0x3d: {  	v15 =	vld.idx.msk [tilespmem:v15+s14+$0x0], $0xffff;
	_ =	sdelay $0x3  }
0x3e: {  	v17 =	vshll.u32 v48, $0x3  }
0x3f: {  	v16 =	vand.u32 $0x7F, v48;
	vm10 =	vgt.f32 v11, v15;
	v11 =	vand.u32 $0xFFFFFC00, v17  }
0x40: {  	v14 =	vshll.u32 v47, $0x1;
	v15 =	vsel vm10, $0x1, v3;
	v11 =	vadd.s32 v13, v11  }
0x41: {  	v14 =	vor.u32 v15, v14;
	v11 =	vor.u32 v16, v11  }
0x42: {  	v11 =	vor.u32 v12, v11;
	v15 =	vshll.u32 v14, $0x5  }
0x43: {  	v15 =	vor.u32 v5, v15;
	_ =	sdelay $0x3  }
0x44: {  	v11 =	vld.idx.msk [tilespmem:v11+s2+$0x0], $0xffff  }
0x45: {  	v15 =	vld.idx.msk [tilespmem:v15+s14+$0x0], $0xffff;
	_ =	sdelay $0x4  }
0x46: {  	vm11 =	vgt.f32 v11, v15  }
0x47: {  	v11 =	vshll.u32 v14, $0x1;
	v49 =	vsel vm11, $0x1, v3  }
0x48: {  	v11 =	vor.u32 v49, v11  }
0x49: {  	[tilespmem:s22+$0xFFFFFFF0] =	vst v11  }
0x4a: {  	v11 =	vld [tilespmem:$0x10010];
	_ =	sdelay $0x4  }
0x4b: {  	v50 =	vshll.u32 v11, $0x3  }
0x4c: {  	v14 =	vand.u32 $0xFFFFFC00, v50  }
0x4d: {  	v11 =	vand.u32 $0x7F, v11;
	v14 =	vadd.s32 v13, v14  }
0x4e: {  	v11 =	vor.u32 v11, v14  }
0x4f: {  	v11 =	vor.u32 v12, v11  }
0x50: {  	v51 =	vld [tilespmem:$0x10030];
	_ =	sdelay $0x2  }
0x51: {  	v52 =	vld.idx.msk [tilespmem:v6+s14+$0x0], $0xffff  }
0x52: {  	v11 =	vld.idx.msk [tilespmem:v11+s2+$0x0], $0xffff  }
0x53: {  	v53 =	vshll.u32 v51, $0x3  }
0x54: {  	v16 =	vand.u32 $0xFFFFFC00, v53  }
0x55: {  	v16 =	vadd.s32 v13, v16;
	v14 =	vand.u32 $0x7F, v51  }
0x56: {  	v14 =	vor.u32 v14, v16  }
0x57: {  	v14 =	vor.u32 v12, v14;
	vm12 =	vgt.f32 v11, v52  }
0x58: {  	v11 =	vsel vm12, v8, v7;
	_ =	sdelay $0x2  }
0x59: {  	v54 =	vld [tilespmem:$0x10050]  }
0x5a: {  	v14 =	vld.idx.msk [tilespmem:v14+s2+$0x0], $0xffff  }
0x5b: {  	v11 =	vld.idx.msk [tilespmem:v11+s14+$0x0], $0xffff;
	_ =	sdelay $0x3  }
0x5c: {  	v55 =	vshll.u32 v54, $0x3  }
0x5d: {  	v15 =	vand.u32 $0x7F, v54;
	vm13 =	vgt.f32 v14, v11;
	v11 =	vand.u32 $0xFFFFFC00, v55  }
0x5e: {  	v56 =	vsel vm12, $0x2, v3;
	v14 =	vsel vm13, $0x1, v3;
	v11 =	vadd.s32 v13, v11  }
0x5f: {  	v14 =	vor.u32 v14, v56;
	v11 =	vor.u32 v15, v11  }
0x60: {  	v11 =	vor.u32 v12, v11;
	v57 =	vshll.u32 v14, $0x5  }
0x61: {  	v15 =	vor.u32 v9, v57;
	_ =	sdelay $0x2  }
0x62: {  	v58 =	vld [tilespmem:$0x10070]  }
0x63: {  	v11 =	vld.idx.msk [tilespmem:v11+s2+$0x0], $0xffff  }
0x64: {  	v15 =	vld.idx.msk [tilespmem:v15+s14+$0x0], $0xffff;
	_ =	sdelay $0x3  }
0x65: {  	v59 =	vshll.u32 v58, $0x3  }
0x66: {  	v62 =	vand.u32 $0x7F, v58;
	v17 =	vand.u32 $0xFFFFFC00, v59;
	vm14 =	vgt.f32 v11, v15  }
0x67: {  	v60 =	vshll.u32 v14, $0x1;
	v11 =	vadd.s32 v13, v17;
	v61 =	vsel vm14, $0x1, v3  }
0x68: {  	v11 =	vor.u32 v62, v11;
	v13 =	vor.u32 v61, v60  }
0x69: {  	v11 =	vor.u32 v12, v11;
	v63 =	vshll.u32 v13, $0x5  }
0x6a: {  	v12 =	vor.u32 v10, v63;
	_ =	sdelay $0x3  }
0x6b: {  	v11 =	vld.idx.msk [tilespmem:v11+s2+$0x0], $0xffff  }
0x6c: {  	v12 =	vld.idx.msk [tilespmem:v12+s14+$0x0], $0xffff;
	_ =	sdelay $0x2  }
0x6d: {  	p0 =	sne.s32 s21, $0xF  }
.Ltmp2:
0x6e: {  	_ = 	snop;
	(pc) =	sbr.rel @p0 .LBB2_3-.Ltmp2, $4  }
0x6f: {  	vm15 =	vgt.f32 v11, v12  }
0x70: {  	v11 =	vshll.u32 v13, $0x1;
	v12 =	vsel vm15, $0x1, v3  }
0x71: {  	v11 =	vor.u32 v12, v11  }
0x72: {  	s21 =	sadd.s32 $0x1, s21;
	[tilespmem:s22+$0x0] =	vst v11;
	s22 =	sadd.s32 $0x80, s22  }
0x73: {  	s22 =	sshll.u32 s20, $0x9  }
0x74: {  	s21 =	sadd.s32 s22, s7  }
0x75: {  	[hbm4b:s21+s2] =	stream.linear.scatter [tilespmem:s17], [sflag:$0x3], $0x800, $0x38;
	[tilespmem:$0x10C80] =	vst v63  }
0x76: {  	_ =	swait.ge [sflag:s13], $0x800  }
0x77: {  	p0 =	seq.s32 s20, $0x3;
	s21 =	sshll.u32 s20, $0xD;
	[sflag:s13] =	ssyncset.done $0x0  }
0x78: {  	s24 =	simm.s32 @!p0 $0x0;
	s23 =	sadd.s32 @!p0 s21, s8;
	[sflag:s13] =	ssyncadd.s32 $0xFFFFF800  }
0x79: {  	[tilespmem:s24], [sflag:$0x1] =	stream.linear.gather @!p0 [hbm4b:s23+s24], $0x8000, $0x38;
	[tilespmem:$0x10C80] =	vst v63  }
0x7a: {  	_ =	swait.ge [sflag:s18], $0x8000  }
0x7b: {  	[sflag:s18] =	ssyncset.done $0x0  }
0x7c: {  	s23 =	simm.s32 $0x0;
	s24 =	simm.s32 $0x10490;
	[sflag:s18] =	ssyncadd.s32 $0xFFFF8000  }
.LBB2_5:
0x7d: {  	v11 =	vld [tilespmem:$0x10000];
	_ =	sdelay $0x3  }
0x7e: {  	v12 =	vmov s23  }
0x7f: {  	v13 =	vshll.u32 v12, $0xB;
	v14 =	vshll.u32 v11, $0x3  }
0x80: {  	v13 =	vand.u32 $0x4000, v13;
	v14 =	vand.u32 $0xFFFFFC00, v14  }
0x81: {  	v12 =	vshll.u32 v12, $0x7;
	v11 =	vand.u32 $0x7F, v11;
	v14 =	vadd.s32 v13, v14  }
0x82: {  	v12 =	vand.u32 $0x380, v12;
	v11 =	vor.u32 v11, v14  }
0x83: {  	v11 =	vor.u32 v12, v11  }
0x84: {  	v40 =	vld [tilespmem:$0x10020];
	_ =	sdelay $0x2  }
0x85: {  	v15 =	vld.idx.msk [tilespmem:v0+s14+$0x0], $0xffff  }
0x86: {  	v11 =	vld.idx.msk [tilespmem:v11+s15+$0x0], $0xffff  }
0x87: {  	v16 =	vshll.u32 v40, $0x3  }
0x88: {  	v16 =	vand.u32 $0xFFFFFC00, v16  }
0x89: {  	v16 =	vadd.s32 v13, v16;
	v14 =	vand.u32 $0x7F, v40  }
0x8a: {  	v14 =	vor.u32 v14, v16  }
0x8b: {  	vm0 =	vgt.f32 v11, v15;
	v11 =	vor.u32 v12, v14  }
0x8c: {  	v41 =	vsel vm0, v2, v1;
	_ =	sdelay $0x2  }
0x8d: {  	v42 =	vld [tilespmem:$0x10040]  }
0x8e: {  	v11 =	vld.idx.msk [tilespmem:v11+s15+$0x0], $0xffff  }
0x8f: {  	v14 =	vld.idx.msk [tilespmem:v41+s14+$0x0], $0xffff;
	_ =	sdelay $0x2  }
0x90: {  	v43 =	vshll.u32 v42, $0x3  }
0x91: {  	v16 =	vand.u32 $0xFFFFFC00, v43  }
0x92: {  	v44 =	vadd.s32 v13, v16;
	vm1 =	vgt.f32 v11, v14  }
0x93: {  	v45 =	vsel vm0, $0x2, v3;
	v11 =	vand.u32 $0x7F, v42;
	v46 =	vsel vm1, $0x1, v3  }
0x94: {  	v11 =	vor.u32 v11, v44;
	v47 =	vor.u32 v46, v45  }
0x95: {  	v11 =	vor.u32 v12, v11;
	v15 =	vshll.u32 v47, $0x5  }
0x96: {  	v15 =	vor.u32 v4, v15;
	_ =	sdelay $0x2  }
0x97: {  	v48 =	vld [tilespmem:$0x10060]  }
0x98: {  	v11 =	vld.idx.msk [tilespmem:v11+s15+$0x0], $0xffff  }
0x99: {  	v15 =	vld.idx.msk [tilespmem:v15+s14+$0x0], $0xffff;
	_ =	sdelay $0x3  }
0x9a: {  	v17 =	vshll.u32 v48, $0x3  }
0x9b: {  	v16 =	vand.u32 $0x7F, v48;
	vm10 =	vgt.f32 v11, v15;
	v11 =	vand.u32 $0xFFFFFC00, v17  }
0x9c: {  	v14 =	vshll.u32 v47, $0x1;
	v15 =	vsel vm10, $0x1, v3;
	v11 =	vadd.s32 v13, v11  }
0x9d: {  	v14 =	vor.u32 v15, v14;
	v11 =	vor.u32 v16, v11  }
0x9e: {  	v11 =	vor.u32 v12, v11;
	v15 =	vshll.u32 v14, $0x5  }
0x9f: {  	v15 =	vor.u32 v5, v15;
	_ =	sdelay $0x3  }
0xa0: {  	v11 =	vld.idx.msk [tilespmem:v11+s15+$0x0], $0xffff  }
0xa1: {  	v15 =	vld.idx.msk [tilespmem:v15+s14+$0x0], $0xffff;
	_ =	sdelay $0x4  }
0xa2: {  	vm11 =	vgt.f32 v11, v15  }
0xa3: {  	v11 =	vshll.u32 v14, $0x1;
	v49 =	vsel vm11, $0x1, v3  }
0xa4: {  	v11 =	vor.u32 v49, v11  }
0xa5: {  	[tilespmem:s24+$0xFFFFFFF0] =	vst v11  }
0xa6: {  	v11 =	vld [tilespmem:$0x10010];
	_ =	sdelay $0x4  }
0xa7: {  	v50 =	vshll.u32 v11, $0x3  }
0xa8: {  	v14 =	vand.u32 $0xFFFFFC00, v50  }
0xa9: {  	v11 =	vand.u32 $0x7F, v11;
	v14 =	vadd.s32 v13, v14  }
0xaa: {  	v11 =	vor.u32 v11, v14  }
0xab: {  	v11 =	vor.u32 v12, v11  }
0xac: {  	v51 =	vld [tilespmem:$0x10030];
	_ =	sdelay $0x2  }
0xad: {  	v52 =	vld.idx.msk [tilespmem:v6+s14+$0x0], $0xffff  }
0xae: {  	v11 =	vld.idx.msk [tilespmem:v11+s15+$0x0], $0xffff  }
0xaf: {  	v53 =	vshll.u32 v51, $0x3  }
0xb0: {  	v16 =	vand.u32 $0xFFFFFC00, v53  }
0xb1: {  	v16 =	vadd.s32 v13, v16;
	v14 =	vand.u32 $0x7F, v51  }
0xb2: {  	v14 =	vor.u32 v14, v16  }
0xb3: {  	v14 =	vor.u32 v12, v14;
	vm12 =	vgt.f32 v11, v52  }
0xb4: {  	v11 =	vsel vm12, v8, v7;
	_ =	sdelay $0x2  }
0xb5: {  	v54 =	vld [tilespmem:$0x10050]  }
0xb6: {  	v14 =	vld.idx.msk [tilespmem:v14+s15+$0x0], $0xffff  }
0xb7: {  	v11 =	vld.idx.msk [tilespmem:v11+s14+$0x0], $0xffff;
	_ =	sdelay $0x3  }
0xb8: {  	v55 =	vshll.u32 v54, $0x3  }
0xb9: {  	v15 =	vand.u32 $0x7F, v54;
	vm13 =	vgt.f32 v14, v11;
	v11 =	vand.u32 $0xFFFFFC00, v55  }
0xba: {  	v56 =	vsel vm12, $0x2, v3;
	v14 =	vsel vm13, $0x1, v3;
	v11 =	vadd.s32 v13, v11  }
0xbb: {  	v14 =	vor.u32 v14, v56;
	v11 =	vor.u32 v15, v11  }
0xbc: {  	v11 =	vor.u32 v12, v11;
	v57 =	vshll.u32 v14, $0x5  }
0xbd: {  	v15 =	vor.u32 v9, v57;
	_ =	sdelay $0x2  }
0xbe: {  	v58 =	vld [tilespmem:$0x10070]  }
0xbf: {  	v11 =	vld.idx.msk [tilespmem:v11+s15+$0x0], $0xffff  }
0xc0: {  	v15 =	vld.idx.msk [tilespmem:v15+s14+$0x0], $0xffff;
	_ =	sdelay $0x3  }
0xc1: {  	v59 =	vshll.u32 v58, $0x3  }
0xc2: {  	v62 =	vand.u32 $0x7F, v58;
	v17 =	vand.u32 $0xFFFFFC00, v59;
	vm14 =	vgt.f32 v11, v15  }
0xc3: {  	v60 =	vshll.u32 v14, $0x1;
	v11 =	vadd.s32 v13, v17;
	v61 =	vsel vm14, $0x1, v3  }
0xc4: {  	v11 =	vor.u32 v62, v11;
	v13 =	vor.u32 v61, v60  }
0xc5: {  	v11 =	vor.u32 v12, v11;
	v63 =	vshll.u32 v13, $0x5  }
0xc6: {  	v12 =	vor.u32 v10, v63;
	_ =	sdelay $0x3  }
0xc7: {  	v11 =	vld.idx.msk [tilespmem:v11+s15+$0x0], $0xffff  }
0xc8: {  	v12 =	vld.idx.msk [tilespmem:v12+s14+$0x0], $0xffff;
	_ =	sdelay $0x2  }
0xc9: {  	p1 =	sne.s32 s23, $0xF  }
.Ltmp3:
0xca: {  	_ = 	snop;
	(pc) =	sbr.rel @p1 .LBB2_5-.Ltmp3, $4  }
0xcb: {  	vm15 =	vgt.f32 v11, v12  }
0xcc: {  	v11 =	vshll.u32 v13, $0x1;
	v12 =	vsel vm15, $0x1, v3  }
0xcd: {  	v11 =	vor.u32 v12, v11  }
0xce: {  	s23 =	sadd.s32 $0x1, s23;
	[tilespmem:s24+$0x0] =	vst v11;
	s24 =	sadd.s32 $0x80, s24  }
.Ltmp4:
0xcf: {  	s22 =	sadd.s32 s11, s22;
	(pc) =	sbr.rel @p0 .LBB2_8-.Ltmp4, $4  }
0xd0: {  	[hbm4b:s22+s2] =	stream.linear.scatter [tilespmem:s17], [sflag:$0x3], $0x800, $0x38;
	[tilespmem:$0x10C80] =	vst v63  }
0xd1: {  	_ =	swait.ge [sflag:s13], $0x800  }
0xd2: {  	[sflag:s13] =	ssyncset.done $0x0  }
0xd3: {  	[sflag:s13] =	ssyncadd.s32 $0xFFFFF800  }
.Ltmp5:
0xd4: {  	(pc) =	sbr.rel .LBB2_2-.Ltmp5, $3  }
0xd5: {  	_ =	sdelay $0x1  }
0xd6: {  	s21 =	sadd.s32 s21, s9;
	s20 =	sadd.s32 $0x1, s20  }
0xd7: {  	[tilespmem:s15], [sflag:$0x2] =	stream.linear.gather [hbm4b:s21+s2], $0x8000, $0x38;
	[tilespmem:$0x10C80] =	vst v63  }
.LBB2_9:
0xd8: {  	_ =	sfence.sel $0x180000  }
0xd9: {  	[bflag:$0x0] =	sbarrier.arrive $0xFFFF  }
0xda: {  	p0 =	sne.s32 s1, $0x0;
	_ =	strace $0x90000047  }
0xdb: {  	s0 =	sadd.s32 @!p0 $0x100000, s0;
	[bflag:$0x2] =	sbarrier.arrive $0xFFFF  }
0xdc: {  	[sflag:s0] =	ssyncadd.tile.s32 @!p0 $0x1;
	_ =	shalt  }
.Lfunc_end2:
_tile_overlayer_lowered:
.L_overlay_start_2:
0xdd: {  	(tag) =	ssettag $0x2  }
0xde: {  	s0 =	rddreg [dreg:$0x0];
	s2 =	stileid.u32  }
0xdf: {  	s1 =	rddreg [dreg:$0x1];
	p0 =	sne.s32 s2, $0x0  }
0xe0: {  	s3 =	rddreg [dreg:$0x2];
	[bflag:$0x3] =	sbarrier.arrive $0xFFFF;
	s2 =	simm.s32 @!p0 $0x1C03  }
0xe1: {  	[timem:s3], [sflag:s2] =	dma.local @!p0 [hbm:s0], s1  }
0xe2: {  	s0 =	simm.s32 @!p0 $0x3  }
0xe3: {  	_ =	swait.ge @!p0 [sflag:s0], s1  }
0xe4: {  	s1 =	ssub.s32 @!p0 $0x0, s1;
	[sflag:s0] =	ssyncset.done @!p0 $0x0  }
0xe5: {  	[sflag:s0] =	ssyncadd.s32 @!p0 s1  }
0xe6: {  	[bflag:$0x3] =	sbarrier.arrive $0xFFFF  }
0xe7: {  	_ =	shalt  }

</sc_bundles>
